<compile_context>
chip_gen: v7x
topology: tpu7x:2x2x1
jax: 0.10.2.dev20260603
libtpu: 0.0.44.dev20260713+nightly
codegen_flags: <defaults>
</compile_context>

<pallas_src>
import functools

import jax
import jax.numpy as jnp
import numpy as np
from jax import lax
from jax.experimental import pallas as pl
from jax.experimental.pallas import tpu as pltpu
from jax.experimental.pallas import tpu_sc as plsc

B = 4096
D = 128
L = 20
GN = 1000
NC = 2
NS = 16
NW = NC * NS
BPW = B // NW
NBUF = 4


def _sc_embed(user_i, item_i, country_i, tflat, scat, zeros,
              user_table, item_table, country_table, tags_table):
    mesh = plsc.VectorSubcoreMesh(core_axis_name="c", subcore_axis_name="s")
    emb_ty = jax.ShapeDtypeStruct((B, D), jnp.float32)

    @functools.partial(
        pl.kernel,
        mesh=mesh,
        out_type=(emb_ty, emb_ty, emb_ty, emb_ty),
        scratch_types=[
            pltpu.VMEM((3, BPW), jnp.int32),
            pltpu.VMEM((L * BPW,), jnp.int32),
            pltpu.VMEM((8, BPW), jnp.int32),
            pltpu.VMEM((NBUF, BPW, D), jnp.float32),
            pltpu.VMEM_SHARED((NS, BPW, D), jnp.float32),
            pltpu.SemaphoreType.DMA((NBUF,)),
            pltpu.SemaphoreType.DMA((NBUF,)),
            pltpu.SemaphoreType.DMA,
            pltpu.SemaphoreType.DMA((3,)),
            pltpu.SemaphoreType.DMA((3,)),
        ],
    )
    def sc_kernel(u_hbm, i_hbm, c_hbm, tf_hbm, sc_hbm, z_hbm,
                  ut_hbm, it_hbm, ct_hbm, tt_hbm,
                  uo_hbm, io_hbm, co_hbm, to_hbm,
                  idx3_v, idxm_v, scat_v, ring_v, acc_sh,
                  gsem, ssem, zsem, isem, wsem):
        c = lax.axis_index("c")
        s = lax.axis_index("s")
        wid = c * NS + s
        base = wid * BPW

        slab = acc_sh.at[s]
        pltpu.make_async_copy(z_hbm, slab, zsem).start()

        sing = ((u_hbm, ut_hbm, uo_hbm), (i_hbm, it_hbm, io_hbm),
                (c_hbm, ct_hbm, co_hbm))

        def icopy(k):
            return pltpu.make_async_copy(
                sing[k][0].at[pl.ds(base, BPW)], idx3_v.at[k], isem.at[k])

        def sgather(k):
            return pltpu.make_async_copy(
                sing[k][1].at[idx3_v.at[k]], ring_v.at[k], gsem.at[k])

        def swrite(k):
            return pltpu.make_async_copy(
                ring_v.at[k], sing[k][2].at[pl.ds(base, BPW)], wsem.at[k])

        for k in range(3):
            icopy(k).start()
        for k in range(3):
            icopy(k).wait()
            sgather(k).start()
        for k in range(3):
            sgather(k).wait()
            swrite(k).start()

        pltpu.sync_copy(sc_hbm, scat_v)

        def gather(g, buf):
            return pltpu.make_async_copy(
                tt_hbm.at[idxm_v.at[pl.ds(g * BPW, BPW)]],
                ring_v.at[buf], gsem.at[buf])

        def scatter(g, buf):
            return pltpu.make_async_copy(
                ring_v.at[buf], slab.at[scat_v.at[0]], ssem.at[buf])

        pltpu.sync_copy(tf_hbm.at[pl.ds(base * L, L * BPW)], idxm_v)
        pltpu.make_async_copy(z_hbm, slab, zsem).wait()

        for k in range(3):
            swrite(k).wait()

        for g in range(NBUF - 1):
            gather(g, g).start()

        @pl.loop(0, L)
        def _(g):
            buf = lax.rem(g, NBUF)
            gather(g, buf).wait()
            scatter(g, buf).start(add=True)
            nxt = g + NBUF - 1

            @pl.when(nxt < L)
            def _():
                nbuf = lax.rem(nxt, NBUF)
                @pl.when(nxt >= NBUF)
                def _():
                    scatter(nxt - NBUF, nbuf).wait()
                gather(nxt, nbuf).start()

        for g in range(L - NBUF, L):
            scatter(g, g % NBUF).wait()
        pltpu.sync_copy(slab, to_hbm.at[pl.ds(base, BPW)])

    return sc_kernel(user_i, item_i, country_i, tflat, scat, zeros,
                     user_table, item_table, country_table, tags_table)


GTB = 512


def _genre_body(g_ref, gt_ref, o_ref):
    gi = g_ref[...]
    vio = lax.broadcasted_iota(jnp.int32, (GTB, GN), 1)
    counts = (gi[:, 0:1] == vio).astype(jnp.float32)
    for l in range(1, L):
        counts = counts + (gi[:, l:l + 1] == vio).astype(jnp.float32)
    o_ref[...] = jnp.dot(counts, gt_ref[...],
                         preferred_element_type=jnp.float32)


def _genre_emb(genre_i, genre_table):
    return pl.pallas_call(
        _genre_body,
        grid=(B // GTB,),
        in_specs=[
            pl.BlockSpec((GTB, L), lambda n: (n, 0)),
            pl.BlockSpec((GN, D), lambda n: (0, 0)),
        ],
        out_specs=pl.BlockSpec((GTB, D), lambda n: (n, 0)),
        out_shape=jax.ShapeDtypeStruct((B, D), jnp.float32),
    )(genre_i, genre_table)


TB = 512


def _mlp_body(u_ref, i_ref, g_ref, c_ref, t_ref,
              w1_ref, b1_ref, w2_ref, b2_ref, w3_ref, b3_ref, o_ref):
    embs = (u_ref[...], i_ref[...], g_ref[...], c_ref[...], t_ref[...])
    h = b1_ref[...]
    for idx, e in enumerate(embs):
        h = h + jnp.dot(e, w1_ref[idx], preferred_element_type=jnp.float32)
    h = jnp.maximum(h, 0.0)
    h2 = jnp.dot(h, w2_ref[...], preferred_element_type=jnp.float32)
    h2 = jnp.maximum(h2 + b2_ref[...], 0.0)
    o = jnp.dot(h2, w3_ref[...], preferred_element_type=jnp.float32)
    o_ref[...] = o + b3_ref[...]


def _mlp(u, i, g, c, t, W1, b1, W2, b2, W3, b3):
    w1r = W1.reshape(5, D, D)
    full = lambda shape: pl.BlockSpec(shape, lambda n: tuple(0 for _ in shape))
    out = pl.pallas_call(
        _mlp_body,
        grid=(B // TB,),
        in_specs=[
            pl.BlockSpec((TB, D), lambda n: (n, 0)),
            pl.BlockSpec((TB, D), lambda n: (n, 0)),
            pl.BlockSpec((TB, D), lambda n: (n, 0)),
            pl.BlockSpec((TB, D), lambda n: (n, 0)),
            pl.BlockSpec((TB, D), lambda n: (n, 0)),
            full((5, D, D)),
            full((1, D)),
            full((D, D // 2)),
            full((1, D // 2)),
            full((D // 2, 1)),
            full((1, 1)),
        ],
        out_specs=pl.BlockSpec((TB, 1), lambda n: (n, 0)),
        out_shape=jax.ShapeDtypeStruct((B, 1), jnp.float32),
    )(u, i, g, c, t, w1r, b1.reshape(1, D), W2, b2.reshape(1, D // 2),
      W3, b3.reshape(1, 1))
    return out.reshape(-1)


_SCAT = np.tile(np.arange(BPW, dtype=np.int32), (8, 1))


def kernel(user, item, genre, country, tags,
           user_table, item_table, genre_table, country_table, tags_table,
           W1, b1, W2, b2, W3, b3):
    user_i = user.astype(jnp.int32)
    item_i = item.astype(jnp.int32)
    country_i = country.astype(jnp.int32)
    genre_i = genre.astype(jnp.int32)
    tflat = tags.astype(jnp.int32).reshape(NW, BPW, L).transpose(0, 2, 1).reshape(-1)
    scat = jnp.asarray(_SCAT)
    zeros = jnp.zeros((BPW, D), jnp.float32)

    u_e, i_e, c_e, t_e = _sc_embed(
        user_i, item_i, country_i, tflat, scat, zeros,
        user_table, item_table, country_table, tags_table)
    g_e = _genre_emb(genre_i, genre_table)

    return _mlp(u_e, i_e, g_e, c_e, t_e, W1, b1, W2, b2, W3, b3)

# --- scband reference (transcript-rebuilt; emitter-appended) ---
"""Pipeline reference for scband-simple-cf-87153476371102 (READ-ONLY COPY).

The authoritative reference and input builder live on the scoring server;
editing this copy changes nothing except your own understanding.
"""

import jax, jax.numpy as jnp
import numpy as np

B = 4096
D = 128  # output_dim * 4, output_dim = 32
L = 20
USER_NUM = 100000
ITEM_NUM = 100000
GENRE_NUM = 1000
COUNTRY_NUM = 1000
TAGS_NUM = 100000


def setup_inputs(seed: int = 0) -> dict:
    key = jax.random.key(seed)
    ks = jax.random.split(key, 16)
    inp = {}
    inp["user"] = jax.random.randint(ks[0], (B,), 0, USER_NUM, dtype=jnp.int64 if jax.config.jax_enable_x64 else jnp.int32)
    inp["item"] = jax.random.randint(ks[1], (B,), 0, ITEM_NUM)
    inp["genre"] = jax.random.randint(ks[2], (B, L), 0, GENRE_NUM)
    inp["country"] = jax.random.randint(ks[3], (B,), 0, COUNTRY_NUM)
    inp["tags"] = jax.random.randint(ks[4], (B, L), 0, TAGS_NUM)
    inp["user_table"] = jax.random.normal(ks[5], (USER_NUM, D), dtype=jnp.float32) * 0.02
    inp["item_table"] = jax.random.normal(ks[6], (ITEM_NUM, D), dtype=jnp.float32) * 0.02
    inp["genre_table"] = jax.random.normal(ks[7], (GENRE_NUM, D), dtype=jnp.float32) * 0.02
    inp["country_table"] = jax.random.normal(ks[8], (COUNTRY_NUM, D), dtype=jnp.float32) * 0.02
    inp["tags_table"] = jax.random.normal(ks[9], (TAGS_NUM, D), dtype=jnp.float32) * 0.02
    inp["W1"] = jax.random.normal(ks[10], (5 * D, D), dtype=jnp.float32) * 0.02
    inp["b1"] = jnp.zeros((D,), dtype=jnp.float32)
    inp["W2"] = jax.random.normal(ks[11], (D, D // 2), dtype=jnp.float32) * 0.02
    inp["b2"] = jnp.zeros((D // 2,), dtype=jnp.float32)
    inp["W3"] = jax.random.normal(ks[12], (D // 2, 1), dtype=jnp.float32) * 0.02
    inp["b3"] = jnp.zeros((1,), dtype=jnp.float32)
    return inp


def reference(user, item, genre, country, tags,
              user_table, item_table, genre_table, country_table, tags_table,
              W1, b1, W2, b2, W3, b3):
    user_emb = jnp.take(user_table, user, axis=0)          # [B, D]
    item_emb = jnp.take(item_table, item, axis=0)          # [B, D]
    genre_emb = jnp.sum(jnp.take(genre_table, genre, axis=0), axis=1)   # [B, D]
    country_emb = jnp.take(country_table, country, axis=0) # [B, D]
    tags_emb = jnp.sum(jnp.take(tags_table, tags, axis=0), axis=1)      # [B, D]
    concat = jnp.concatenate((user_emb, item_emb, genre_emb, country_emb, tags_emb), axis=-1)  # [B, 5D]
    x = jax.nn.relu(concat @ W1 + b1)   # dropout is identity in eval mode
    x = jax.nn.relu(x @ W2 + b2)
    x = x @ W3 + b3
    return x.reshape(-1)

if __name__ == "__main__":
    import jax
    _d = setup_inputs()
    print(jax.jit(kernel)(*tuple(_d.values())))

</pallas_src>

<mosaic_0001>
#map = affine_map<(d0, d1) -> (0)>
#map1 = affine_map<(d0, d1) -> (0, 0)>
module attributes {stable_mosaic.version = 14 : i64} {
  func.func @sc_kernel(%arg0: i32, %arg1: i32, %arg2: memref<4096xi32, #tpu.memory_space<hbm>>, %arg3: memref<4096xi32, #tpu.memory_space<hbm>>, %arg4: memref<4096xi32, #tpu.memory_space<hbm>>, %arg5: memref<81920xi32, #tpu.memory_space<hbm>>, %arg6: memref<8x128xi32, #tpu.memory_space<hbm>>, %arg7: memref<128x128xf32, #tpu.memory_space<hbm>>, %arg8: memref<100000x128xf32, #tpu.memory_space<hbm>>, %arg9: memref<100000x128xf32, #tpu.memory_space<hbm>>, %arg10: memref<1000x128xf32, #tpu.memory_space<hbm>>, %arg11: memref<100000x128xf32, #tpu.memory_space<hbm>>, %arg12: memref<4096x128xf32, #tpu.memory_space<hbm>>, %arg13: memref<4096x128xf32, #tpu.memory_space<hbm>>, %arg14: memref<4096x128xf32, #tpu.memory_space<hbm>>, %arg15: memref<4096x128xf32, #tpu.memory_space<hbm>>, %arg16: memref<3x128xi32, #tpu.memory_space<vmem>>, %arg17: memref<2560xi32, #tpu.memory_space<vmem>>, %arg18: memref<8x128xi32, #tpu.memory_space<vmem>>, %arg19: memref<4x128x128xf32, #tpu.memory_space<vmem>>, %arg20: memref<16x128x128xf32, #tpu.memory_space<vmem_shared>>, %arg21: memref<4x!tpu.dma_semaphore, #tpu.memory_space<semaphore_mem>>, %arg22: memref<4x!tpu.dma_semaphore, #tpu.memory_space<semaphore_mem>>, %arg23: memref<!tpu.dma_semaphore, #tpu.memory_space<semaphore_mem>>, %arg24: memref<3x!tpu.dma_semaphore, #tpu.memory_space<semaphore_mem>>, %arg25: memref<3x!tpu.dma_semaphore, #tpu.memory_space<semaphore_mem>>) attributes {dimension_semantics = [#tpu.dimension_semantics<core_parallel>, #tpu.dimension_semantics<subcore_parallel>], iteration_bounds = array<i64: 2, 16>, scalar_prefetch = 0 : i64, scratch_operands = 10 : i64, tpu.core_type = #tpu.core_type<sc_vector_subcore>, window_params = [{transform_indices = #map}, {transform_indices = #map}, {transform_indices = #map}, {transform_indices = #map}, {transform_indices = #map1}, {transform_indices = #map1}, {transform_indices = #map1}, {transform_indices = #map1}, {transform_indices = #map1}, {transform_indices = #map1}, {transform_indices = #map1}, {transform_indices = #map1}, {transform_indices = #map1}, {transform_indices = #map1}]} {
    %mul3A = arith.constant 16 : i32
    %mul3A_0 = arith.muli %arg0, %mul3A : i32
    %add3A = arith.addi %mul3A_0, %arg1 : i32
    %mul3A_1 = arith.constant 128 : i32
    %mul3A_2 = arith.muli %add3A, %mul3A_1 : i32
    %dma_start3A = arith.constant 0 : i32
    %dma_start3A_3 = arith.constant 0 : i32
    %dma_start3A_4 = tpu.memref_slice %arg20[%arg1, %dma_start3A, %dma_start3A_3] : memref<16x128x128xf32, #tpu.memory_space<vmem_shared>> -> memref<1x128x128xf32, #tpu.memory_space<vmem_shared>>
    %dma_start3A_5 = tpu.memref_squeeze %dma_start3A_4 : memref<1x128x128xf32, #tpu.memory_space<vmem_shared>> -> memref<128x128xf32, #tpu.memory_space<vmem_shared>>
    tpu.enqueue_dma source(%arg7 : memref<128x128xf32, #tpu.memory_space<hbm>>) target(%dma_start3A_5 : memref<128x128xf32, #tpu.memory_space<vmem_shared>>) target_semaphore(%arg23 : memref<!tpu.dma_semaphore, #tpu.memory_space<semaphore_mem>>)
    %dma_start3A_6 = arith.constant 0 : i32
    %dma_start3A_7 = arith.constant 0 : i32
    %dma_start3A_8 = arith.constant 0 : i32
    %dma_start3A_9 = tpu.memref_slice %arg16[%dma_start3A_6, %dma_start3A_8] : memref<3x128xi32, #tpu.memory_space<vmem>> -> memref<1x128xi32, #tpu.memory_space<vmem>>
    %dma_start3A_10 = tpu.memref_squeeze %dma_start3A_9 : memref<1x128xi32, #tpu.memory_space<vmem>> -> memref<128xi32, #tpu.memory_space<vmem>>
    %dma_start3A_11 = tpu.memref_slice %arg2[%mul3A_2] : memref<4096xi32, #tpu.memory_space<hbm>> -> memref<128xi32, #tpu.memory_space<hbm>>
    %dma_start3A_12 = tpu.memref_slice %arg24[%dma_start3A_7] : memref<3x!tpu.dma_semaphore, #tpu.memory_space<semaphore_mem>> -> memref<1x!tpu.dma_semaphore, #tpu.memory_space<semaphore_mem>>
    %dma_start3A_13 = tpu.memref_squeeze %dma_start3A_12 : memref<1x!tpu.dma_semaphore, #tpu.memory_space<semaphore_mem>> -> memref<!tpu.dma_semaphore, #tpu.memory_space<semaphore_mem>>
    %dma_start3A_14 = arith.constant 0 : i32
    %dma_start3A_15 = tpu.memref_slice %arg16[%dma_start3A_6, %dma_start3A_14] : memref<3x128xi32, #tpu.memory_space<vmem>> -> memref<1x128xi32, #tpu.memory_space<vmem>>
    %dma_start3A_16 = tpu.memref_squeeze %dma_start3A_15 : memref<1x128xi32, #tpu.memory_space<vmem>> -> memref<128xi32, #tpu.memory_space<vmem>>
    %dma_start3A_17 = tpu.memref_slice %arg2[%mul3A_2] : memref<4096xi32, #tpu.memory_space<hbm>> -> memref<128xi32, #tpu.memory_space<hbm>>
    tpu.enqueue_dma source(%dma_start3A_17 : memref<128xi32, #tpu.memory_space<hbm>>) target(%dma_start3A_16 : memref<128xi32, #tpu.memory_space<vmem>>) target_semaphore(%dma_start3A_13 : memref<!tpu.dma_semaphore, #tpu.memory_space<semaphore_mem>>)
    %dma_start3A_18 = arith.constant 1 : i32
    %dma_start3A_19 = arith.constant 1 : i32
    %dma_start3A_20 = arith.constant 0 : i32
    %dma_start3A_21 = tpu.memref_slice %arg16[%dma_start3A_18, %dma_start3A_20] : memref<3x128xi32, #tpu.memory_space<vmem>> -> memref<1x128xi32, #tpu.memory_space<vmem>>
    %dma_start3A_22 = tpu.memref_squeeze %dma_start3A_21 : memref<1x128xi32, #tpu.memory_space<vmem>> -> memref<128xi32, #tpu.memory_space<vmem>>
    %dma_start3A_23 = tpu.memref_slice %arg3[%mul3A_2] : memref<4096xi32, #tpu.memory_space<hbm>> -> memref<128xi32, #tpu.memory_space<hbm>>
    %dma_start3A_24 = tpu.memref_slice %arg24[%dma_start3A_19] : memref<3x!tpu.dma_semaphore, #tpu.memory_space<semaphore_mem>> -> memref<1x!tpu.dma_semaphore, #tpu.memory_space<semaphore_mem>>
    %dma_start3A_25 = tpu.memref_squeeze %dma_start3A_24 : memref<1x!tpu.dma_semaphore, #tpu.memory_space<semaphore_mem>> -> memref<!tpu.dma_semaphore, #tpu.memory_space<semaphore_mem>>
    %dma_start3A_26 = arith.constant 0 : i32
    %dma_start3A_27 = tpu.memref_slice %arg16[%dma_start3A_18, %dma_start3A_26] : memref<3x128xi32, #tpu.memory_space<vmem>> -> memref<1x128xi32, #tpu.memory_space<vmem>>
    %dma_start3A_28 = tpu.memref_squeeze %dma_start3A_27 : memref<1x128xi32, #tpu.memory_space<vmem>> -> memref<128xi32, #tpu.memory_space<vmem>>
    %dma_start3A_29 = tpu.memref_slice %arg3[%mul3A_2] : memref<4096xi32, #tpu.memory_space<hbm>> -> memref<128xi32, #tpu.memory_space<hbm>>
    tpu.enqueue_dma source(%dma_start3A_29 : memref<128xi32, #tpu.memory_space<hbm>>) target(%dma_start3A_28 : memref<128xi32, #tpu.memory_space<vmem>>) target_semaphore(%dma_start3A_25 : memref<!tpu.dma_semaphore, #tpu.memory_space<semaphore_mem>>)
    %dma_start3A_30 = arith.constant 2 : i32
    %dma_start3A_31 = arith.constant 2 : i32
    %dma_start3A_32 = arith.constant 0 : i32
    %dma_start3A_33 = tpu.memref_slice %arg16[%dma_start3A_30, %dma_start3A_32] : memref<3x128xi32, #tpu.memory_space<vmem>> -> memref<1x128xi32, #tpu.memory_space<vmem>>
    %dma_start3A_34 = tpu.memref_squeeze %dma_start3A_33 : memref<1x128xi32, #tpu.memory_space<vmem>> -> memref<128xi32, #tpu.memory_space<vmem>>
    %dma_start3A_35 = tpu.memref_slice %arg4[%mul3A_2] : memref<4096xi32, #tpu.memory_space<hbm>> -> memref<128xi32, #tpu.memory_space<hbm>>
    %dma_start3A_36 = tpu.memref_slice %arg24[%dma_start3A_31] : memref<3x!tpu.dma_semaphore, #tpu.memory_space<semaphore_mem>> -> memref<1x!tpu.dma_semaphore, #tpu.memory_space<semaphore_mem>>
    %dma_start3A_37 = tpu.memref_squeeze %dma_start3A_36 : memref<1x!tpu.dma_semaphore, #tpu.memory_space<semaphore_mem>> -> memref<!tpu.dma_semaphore, #tpu.memory_space<semaphore_mem>>
    %dma_start3A_38 = arith.constant 0 : i32
    %dma_start3A_39 = tpu.memref_slice %arg16[%dma_start3A_30, %dma_start3A_38] : memref<3x128xi32, #tpu.memory_space<vmem>> -> memref<1x128xi32, #tpu.memory_space<vmem>>
    %dma_start3A_40 = tpu.memref_squeeze %dma_start3A_39 : memref<1x128xi32, #tpu.memory_space<vmem>> -> memref<128xi32, #tpu.memory_space<vmem>>
    %dma_start3A_41 = tpu.memref_slice %arg4[%mul3A_2] : memref<4096xi32, #tpu.memory_space<hbm>> -> memref<128xi32, #tpu.memory_space<hbm>>
    tpu.enqueue_dma source(%dma_start3A_41 : memref<128xi32, #tpu.memory_space<hbm>>) target(%dma_start3A_40 : memref<128xi32, #tpu.memory_space<vmem>>) target_semaphore(%dma_start3A_37 : memref<!tpu.dma_semaphore, #tpu.memory_space<semaphore_mem>>)
    %dma_wait3A = arith.constant 0 : i32
    %dma_wait3A_42 = arith.constant 0 : i32
    %dma_wait3A_43 = arith.constant 0 : i32
    %dma_wait3A_44 = tpu.memref_slice %arg16[%dma_wait3A, %dma_wait3A_43] : memref<3x128xi32, #tpu.memory_space<vmem>> -> memref<1x128xi32, #tpu.memory_space<vmem>>
    %dma_wait3A_45 = tpu.memref_squeeze %dma_wait3A_44 : memref<1x128xi32, #tpu.memory_space<vmem>> -> memref<128xi32, #tpu.memory_space<vmem>>
    %dma_wait3A_46 = tpu.memref_slice %arg2[%mul3A_2] : memref<4096xi32, #tpu.memory_space<hbm>> -> memref<128xi32, #tpu.memory_space<hbm>>
    %dma_wait3A_47 = tpu.memref_slice %arg24[%dma_wait3A_42] : memref<3x!tpu.dma_semaphore, #tpu.memory_space<semaphore_mem>> -> memref<1x!tpu.dma_semaphore, #tpu.memory_space<semaphore_mem>>
    %dma_wait3A_48 = tpu.memref_squeeze %dma_wait3A_47 : memref<1x!tpu.dma_semaphore, #tpu.memory_space<semaphore_mem>> -> memref<!tpu.dma_semaphore, #tpu.memory_space<semaphore_mem>>
    %dma_wait3A_49 = arith.constant 0 : i32
    %dma_wait3A_50 = tpu.memref_slice %arg16[%dma_wait3A, %dma_wait3A_49] : memref<3x128xi32, #tpu.memory_space<vmem>> -> memref<1x128xi32, #tpu.memory_space<vmem>>
    %dma_wait3A_51 = tpu.memref_squeeze %dma_wait3A_50 : memref<1x128xi32, #tpu.memory_space<vmem>> -> memref<128xi32, #tpu.memory_space<vmem>>
    %dma_wait3A_52 = tpu.memref_slice %arg2[%mul3A_2] : memref<4096xi32, #tpu.memory_space<hbm>> -> memref<128xi32, #tpu.memory_space<hbm>>
    tpu.wait_dma2 semaphore(%dma_wait3A_48 : memref<!tpu.dma_semaphore, #tpu.memory_space<semaphore_mem>>) src(%dma_wait3A_52 : memref<128xi32, #tpu.memory_space<hbm>>) dst(%dma_wait3A_51 : memref<128xi32, #tpu.memory_space<vmem>>)
    %dma_start3A_53 = arith.constant 0 : i32
    %dma_start3A_54 = arith.constant 0 : i32
    %dma_start3A_55 = arith.constant 0 : i32
    %dma_start3A_56 = arith.constant 0 : i32
    %dma_start3A_57 = arith.constant 0 : i32
    %dma_start3A_58 = tpu.memref_slice %arg19[%dma_start3A_54, %dma_start3A_56, %dma_start3A_57] : memref<4x128x128xf32, #tpu.memory_space<vmem>> -> memref<1x128x128xf32, #tpu.memory_space<vmem>>
    %dma_start3A_59 = tpu.memref_squeeze %dma_start3A_58 : memref<1x128x128xf32, #tpu.memory_space<vmem>> -> memref<128x128xf32, #tpu.memory_space<vmem>>
    %dma_start3A_60 = arith.constant 0 : i32
    %dma_start3A_61 = tpu.memref_slice %arg16[%dma_start3A_53, %dma_start3A_60] : memref<3x128xi32, #tpu.memory_space<vmem>> -> memref<1x128xi32, #tpu.memory_space<vmem>>
    %dma_start3A_62 = tpu.memref_squeeze %dma_start3A_61 : memref<1x128xi32, #tpu.memory_space<vmem>> -> memref<128xi32, #tpu.memory_space<vmem>>
    %dma_start3A_63 = arith.constant 0 : i32
    %dma_start3A_64 = arith.constant 0 : i32
    %dma_start3A_65 = tpu.memref_slice %arg8[%dma_start3A_63, %dma_start3A_64] : memref<100000x128xf32, #tpu.memory_space<hbm>> -> memref<100000x128xf32, #tpu.memory_space<hbm>>
    %dma_start3A_66 = tpu.memref_slice %arg21[%dma_start3A_55] : memref<4x!tpu.dma_semaphore, #tpu.memory_space<semaphore_mem>> -> memref<1x!tpu.dma_semaphore, #tpu.memory_space<semaphore_mem>>
    %dma_start3A_67 = tpu.memref_squeeze %dma_start3A_66 : memref<1x!tpu.dma_semaphore, #tpu.memory_space<semaphore_mem>> -> memref<!tpu.dma_semaphore, #tpu.memory_space<semaphore_mem>>
    tpu.enqueue_indirect_dma source(%dma_start3A_65 : memref<100000x128xf32, #tpu.memory_space<hbm>>) target(%dma_start3A_59 : memref<128x128xf32, #tpu.memory_space<vmem>>) offsets(%dma_start3A_62 : memref<128xi32, #tpu.memory_space<vmem>>) semaphore(%dma_start3A_67 : memref<!tpu.dma_semaphore, #tpu.memory_space<semaphore_mem>>)
    %dma_wait3A_68 = arith.constant 1 : i32
    %dma_wait3A_69 = arith.constant 1 : i32
    %dma_wait3A_70 = arith.constant 0 : i32
    %dma_wait3A_71 = tpu.memref_slice %arg16[%dma_wait3A_68, %dma_wait3A_70] : memref<3x128xi32, #tpu.memory_space<vmem>> -> memref<1x128xi32, #tpu.memory_space<vmem>>
    %dma_wait3A_72 = tpu.memref_squeeze %dma_wait3A_71 : memref<1x128xi32, #tpu.memory_space<vmem>> -> memref<128xi32, #tpu.memory_space<vmem>>
    %dma_wait3A_73 = tpu.memref_slice %arg3[%mul3A_2] : memref<4096xi32, #tpu.memory_space<hbm>> -> memref<128xi32, #tpu.memory_space<hbm>>
    %dma_wait3A_74 = tpu.memref_slice %arg24[%dma_wait3A_69] : memref<3x!tpu.dma_semaphore, #tpu.memory_space<semaphore_mem>> -> memref<1x!tpu.dma_semaphore, #tpu.memory_space<semaphore_mem>>
    %dma_wait3A_75 = tpu.memref_squeeze %dma_wait3A_74 : memref<1x!tpu.dma_semaphore, #tpu.memory_space<semaphore_mem>> -> memref<!tpu.dma_semaphore, #tpu.memory_space<semaphore_mem>>
    %dma_wait3A_76 = arith.constant 0 : i32
    %dma_wait3A_77 = tpu.memref_slice %arg16[%dma_wait3A_68, %dma_wait3A_76] : memref<3x128xi32, #tpu.memory_space<vmem>> -> memref<1x128xi32, #tpu.memory_space<vmem>>
    %dma_wait3A_78 = tpu.memref_squeeze %dma_wait3A_77 : memref<1x128xi32, #tpu.memory_space<vmem>> -> memref<128xi32, #tpu.memory_space<vmem>>
    %dma_wait3A_79 = tpu.memref_slice %arg3[%mul3A_2] : memref<4096xi32, #tpu.memory_space<hbm>> -> memref<128xi32, #tpu.memory_space<hbm>>
    tpu.wait_dma2 semaphore(%dma_wait3A_75 : memref<!tpu.dma_semaphore, #tpu.memory_space<semaphore_mem>>) src(%dma_wait3A_79 : memref<128xi32, #tpu.memory_space<hbm>>) dst(%dma_wait3A_78 : memref<128xi32, #tpu.memory_space<vmem>>)
    %dma_start3A_80 = arith.constant 1 : i32
    %dma_start3A_81 = arith.constant 1 : i32
    %dma_start3A_82 = arith.constant 1 : i32
    %dma_start3A_83 = arith.constant 0 : i32
    %dma_start3A_84 = arith.constant 0 : i32
    %dma_start3A_85 = tpu.memref_slice %arg19[%dma_start3A_81, %dma_start3A_83, %dma_start3A_84] : memref<4x128x128xf32, #tpu.memory_space<vmem>> -> memref<1x128x128xf32, #tpu.memory_space<vmem>>
    %dma_start3A_86 = tpu.memref_squeeze %dma_start3A_85 : memref<1x128x128xf32, #tpu.memory_space<vmem>> -> memref<128x128xf32, #tpu.memory_space<vmem>>
    %dma_start3A_87 = arith.constant 0 : i32
    %dma_start3A_88 = tpu.memref_slice %arg16[%dma_start3A_80, %dma_start3A_87] : memref<3x128xi32, #tpu.memory_space<vmem>> -> memref<1x128xi32, #tpu.memory_space<vmem>>
    %dma_start3A_89 = tpu.memref_squeeze %dma_start3A_88 : memref<1x128xi32, #tpu.memory_space<vmem>> -> memref<128xi32, #tpu.memory_space<vmem>>
    %dma_start3A_90 = arith.constant 0 : i32
    %dma_start3A_91 = arith.constant 0 : i32
    %dma_start3A_92 = tpu.memref_slice %arg9[%dma_start3A_90, %dma_start3A_91] : memref<100000x128xf32, #tpu.memory_space<hbm>> -> memref<100000x128xf32, #tpu.memory_space<hbm>>
    %dma_start3A_93 = tpu.memref_slice %arg21[%dma_start3A_82] : memref<4x!tpu.dma_semaphore, #tpu.memory_space<semaphore_mem>> -> memref<1x!tpu.dma_semaphore, #tpu.memory_space<semaphore_mem>>
    %dma_start3A_94 = tpu.memref_squeeze %dma_start3A_93 : memref<1x!tpu.dma_semaphore, #tpu.memory_space<semaphore_mem>> -> memref<!tpu.dma_semaphore, #tpu.memory_space<semaphore_mem>>
    tpu.enqueue_indirect_dma source(%dma_start3A_92 : memref<100000x128xf32, #tpu.memory_space<hbm>>) target(%dma_start3A_86 : memref<128x128xf32, #tpu.memory_space<vmem>>) offsets(%dma_start3A_89 : memref<128xi32, #tpu.memory_space<vmem>>) semaphore(%dma_start3A_94 : memref<!tpu.dma_semaphore, #tpu.memory_space<semaphore_mem>>)
    %dma_wait3A_95 = arith.constant 2 : i32
    %dma_wait3A_96 = arith.constant 2 : i32
    %dma_wait3A_97 = arith.constant 0 : i32
    %dma_wait3A_98 = tpu.memref_slice %arg16[%dma_wait3A_95, %dma_wait3A_97] : memref<3x128xi32, #tpu.memory_space<vmem>> -> memref<1x128xi32, #tpu.memory_space<vmem>>
    %dma_wait3A_99 = tpu.memref_squeeze %dma_wait3A_98 : memref<1x128xi32, #tpu.memory_space<vmem>> -> memref<128xi32, #tpu.memory_space<vmem>>
    %dma_wait3A_100 = tpu.memref_slice %arg4[%mul3A_2] : memref<4096xi32, #tpu.memory_space<hbm>> -> memref<128xi32, #tpu.memory_space<hbm>>
    %dma_wait3A_101 = tpu.memref_slice %arg24[%dma_wait3A_96] : memref<3x!tpu.dma_semaphore, #tpu.memory_space<semaphore_mem>> -> memref<1x!tpu.dma_semaphore, #tpu.memory_space<semaphore_mem>>
    %dma_wait3A_102 = tpu.memref_squeeze %dma_wait3A_101 : memref<1x!tpu.dma_semaphore, #tpu.memory_space<semaphore_mem>> -> memref<!tpu.dma_semaphore, #tpu.memory_space<semaphore_mem>>
    %dma_wait3A_103 = arith.constant 0 : i32
    %dma_wait3A_104 = tpu.memref_slice %arg16[%dma_wait3A_95, %dma_wait3A_103] : memref<3x128xi32, #tpu.memory_space<vmem>> -> memref<1x128xi32, #tpu.memory_space<vmem>>
    %dma_wait3A_105 = tpu.memref_squeeze %dma_wait3A_104 : memref<1x128xi32, #tpu.memory_space<vmem>> -> memref<128xi32, #tpu.memory_space<vmem>>
    %dma_wait3A_106 = tpu.memref_slice %arg4[%mul3A_2] : memref<4096xi32, #tpu.memory_space<hbm>> -> memref<128xi32, #tpu.memory_space<hbm>>
    tpu.wait_dma2 semaphore(%dma_wait3A_102 : memref<!tpu.dma_semaphore, #tpu.memory_space<semaphore_mem>>) src(%dma_wait3A_106 : memref<128xi32, #tpu.memory_space<hbm>>) dst(%dma_wait3A_105 : memref<128xi32, #tpu.memory_space<vmem>>)
    %dma_start3A_107 = arith.constant 2 : i32
    %dma_start3A_108 = arith.constant 2 : i32
    %dma_start3A_109 = arith.constant 2 : i32
    %dma_start3A_110 = arith.constant 0 : i32
    %dma_start3A_111 = arith.constant 0 : i32
    %dma_start3A_112 = tpu.memref_slice %arg19[%dma_start3A_108, %dma_start3A_110, %dma_start3A_111] : memref<4x128x128xf32, #tpu.memory_space<vmem>> -> memref<1x128x128xf32, #tpu.memory_space<vmem>>
    %dma_start3A_113 = tpu.memref_squeeze %dma_start3A_112 : memref<1x128x128xf32, #tpu.memory_space<vmem>> -> memref<128x128xf32, #tpu.memory_space<vmem>>
    %dma_start3A_114 = arith.constant 0 : i32
    %dma_start3A_115 = tpu.memref_slice %arg16[%dma_start3A_107, %dma_start3A_114] : memref<3x128xi32, #tpu.memory_space<vmem>> -> memref<1x128xi32, #tpu.memory_space<vmem>>
    %dma_start3A_116 = tpu.memref_squeeze %dma_start3A_115 : memref<1x128xi32, #tpu.memory_space<vmem>> -> memref<128xi32, #tpu.memory_space<vmem>>
    %dma_start3A_117 = arith.constant 0 : i32
    %dma_start3A_118 = arith.constant 0 : i32
    %dma_start3A_119 = tpu.memref_slice %arg10[%dma_start3A_117, %dma_start3A_118] : memref<1000x128xf32, #tpu.memory_space<hbm>> -> memref<1000x128xf32, #tpu.memory_space<hbm>>
    %dma_start3A_120 = tpu.memref_slice %arg21[%dma_start3A_109] : memref<4x!tpu.dma_semaphore, #tpu.memory_space<semaphore_mem>> -> memref<1x!tpu.dma_semaphore, #tpu.memory_space<semaphore_mem>>
    %dma_start3A_121 = tpu.memref_squeeze %dma_start3A_120 : memref<1x!tpu.dma_semaphore, #tpu.memory_space<semaphore_mem>> -> memref<!tpu.dma_semaphore, #tpu.memory_space<semaphore_mem>>
    tpu.enqueue_indirect_dma source(%dma_start3A_119 : memref<1000x128xf32, #tpu.memory_space<hbm>>) target(%dma_start3A_113 : memref<128x128xf32, #tpu.memory_space<vmem>>) offsets(%dma_start3A_116 : memref<128xi32, #tpu.memory_space<vmem>>) semaphore(%dma_start3A_121 : memref<!tpu.dma_semaphore, #tpu.memory_space<semaphore_mem>>)
    %dma_wait3A_122 = arith.constant 0 : i32
    %dma_wait3A_123 = arith.constant 0 : i32
    %dma_wait3A_124 = arith.constant 0 : i32
    %dma_wait3A_125 = arith.constant 0 : i32
    %dma_wait3A_126 = arith.constant 0 : i32
    %dma_wait3A_127 = tpu.memref_slice %arg19[%dma_wait3A_123, %dma_wait3A_125, %dma_wait3A_126] : memref<4x128x128xf32, #tpu.memory_space<vmem>> -> memref<1x128x128xf32, #tpu.memory_space<vmem>>
    %dma_wait3A_128 = tpu.memref_squeeze %dma_wait3A_127 : memref<1x128x128xf32, #tpu.memory_space<vmem>> -> memref<128x128xf32, #tpu.memory_space<vmem>>
    %dma_wait3A_129 = arith.constant 0 : i32
    %dma_wait3A_130 = tpu.memref_slice %arg16[%dma_wait3A_122, %dma_wait3A_129] : memref<3x128xi32, #tpu.memory_space<vmem>> -> memref<1x128xi32, #tpu.memory_space<vmem>>
    %dma_wait3A_131 = tpu.memref_squeeze %dma_wait3A_130 : memref<1x128xi32, #tpu.memory_space<vmem>> -> memref<128xi32, #tpu.memory_space<vmem>>
    %dma_wait3A_132 = arith.constant 0 : i32
    %dma_wait3A_133 = arith.constant 0 : i32
    %dma_wait3A_134 = tpu.memref_slice %arg8[%dma_wait3A_132, %dma_wait3A_133] : memref<100000x128xf32, #tpu.memory_space<hbm>> -> memref<100000x128xf32, #tpu.memory_space<hbm>>
    %dma_wait3A_135 = tpu.memref_slice %arg21[%dma_wait3A_124] : memref<4x!tpu.dma_semaphore, #tpu.memory_space<semaphore_mem>> -> memref<1x!tpu.dma_semaphore, #tpu.memory_space<semaphore_mem>>
    %dma_wait3A_136 = tpu.memref_squeeze %dma_wait3A_135 : memref<1x!tpu.dma_semaphore, #tpu.memory_space<semaphore_mem>> -> memref<!tpu.dma_semaphore, #tpu.memory_space<semaphore_mem>>
    tpu.wait_indirect_dma semaphore(%dma_wait3A_136 : memref<!tpu.dma_semaphore, #tpu.memory_space<semaphore_mem>>) src(%dma_wait3A_134 : memref<100000x128xf32, #tpu.memory_space<hbm>>) dst(%dma_wait3A_128 : memref<128x128xf32, #tpu.memory_space<vmem>>)
    %dma_start3A_137 = arith.constant 0 : i32
    %dma_start3A_138 = arith.constant 0 : i32
    %dma_start3A_139 = arith.constant 0 : i32
    %dma_start3A_140 = arith.constant 0 : i32
    %dma_start3A_141 = tpu.memref_slice %arg19[%dma_start3A_137, %dma_start3A_139, %dma_start3A_140] : memref<4x128x128xf32, #tpu.memory_space<vmem>> -> memref<1x128x128xf32, #tpu.memory_space<vmem>>
    %dma_start3A_142 = tpu.memref_squeeze %dma_start3A_141 : memref<1x128x128xf32, #tpu.memory_space<vmem>> -> memref<128x128xf32, #tpu.memory_space<vmem>>
    %dma_start3A_143 = arith.constant 0 : i32
    %dma_start3A_144 = tpu.memref_slice %arg12[%mul3A_2, %dma_start3A_143] : memref<4096x128xf32, #tpu.memory_space<hbm>> -> memref<128x128xf32, #tpu.memory_space<hbm>>
    %dma_start3A_145 = tpu.memref_slice %arg25[%dma_start3A_138] : memref<3x!tpu.dma_semaphore, #tpu.memory_space<semaphore_mem>> -> memref<1x!tpu.dma_semaphore, #tpu.memory_space<semaphore_mem>>
    %dma_start3A_146 = tpu.memref_squeeze %dma_start3A_145 : memref<1x!tpu.dma_semaphore, #tpu.memory_space<semaphore_mem>> -> memref<!tpu.dma_semaphore, #tpu.memory_space<semaphore_mem>>
    %dma_start3A_147 = arith.constant 0 : i32
    %dma_start3A_148 = tpu.memref_slice %arg12[%mul3A_2, %dma_start3A_147] : memref<4096x128xf32, #tpu.memory_space<hbm>> -> memref<128x128xf32, #tpu.memory_space<hbm>>
    %dma_start3A_149 = arith.constant 0 : i32
    %dma_start3A_150 = arith.constant 0 : i32
    %dma_start3A_151 = tpu.memref_slice %arg19[%dma_start3A_137, %dma_start3A_149, %dma_start3A_150] : memref<4x128x128xf32, #tpu.memory_space<vmem>> -> memref<1x128x128xf32, #tpu.memory_space<vmem>>
    %dma_start3A_152 = tpu.memref_squeeze %dma_start3A_151 : memref<1x128x128xf32, #tpu.memory_space<vmem>> -> memref<128x128xf32, #tpu.memory_space<vmem>>
    tpu.enqueue_dma source(%dma_start3A_152 : memref<128x128xf32, #tpu.memory_space<vmem>>) target(%dma_start3A_148 : memref<128x128xf32, #tpu.memory_space<hbm>>) target_semaphore(%dma_start3A_146 : memref<!tpu.dma_semaphore, #tpu.memory_space<semaphore_mem>>)
    %dma_wait3A_153 = arith.constant 1 : i32
    %dma_wait3A_154 = arith.constant 1 : i32
    %dma_wait3A_155 = arith.constant 1 : i32
    %dma_wait3A_156 = arith.constant 0 : i32
    %dma_wait3A_157 = arith.constant 0 : i32
    %dma_wait3A_158 = tpu.memref_slice %arg19[%dma_wait3A_154, %dma_wait3A_156, %dma_wait3A_157] : memref<4x128x128xf32, #tpu.memory_space<vmem>> -> memref<1x128x128xf32, #tpu.memory_space<vmem>>
    %dma_wait3A_159 = tpu.memref_squeeze %dma_wait3A_158 : memref<1x128x128xf32, #tpu.memory_space<vmem>> -> memref<128x128xf32, #tpu.memory_space<vmem>>
    %dma_wait3A_160 = arith.constant 0 : i32
    %dma_wait3A_161 = tpu.memref_slice %arg16[%dma_wait3A_153, %dma_wait3A_160] : memref<3x128xi32, #tpu.memory_space<vmem>> -> memref<1x128xi32, #tpu.memory_space<vmem>>
    %dma_wait3A_162 = tpu.memref_squeeze %dma_wait3A_161 : memref<1x128xi32, #tpu.memory_space<vmem>> -> memref<128xi32, #tpu.memory_space<vmem>>
    %dma_wait3A_163 = arith.constant 0 : i32
    %dma_wait3A_164 = arith.constant 0 : i32
    %dma_wait3A_165 = tpu.memref_slice %arg9[%dma_wait3A_163, %dma_wait3A_164] : memref<100000x128xf32, #tpu.memory_space<hbm>> -> memref<100000x128xf32, #tpu.memory_space<hbm>>
    %dma_wait3A_166 = tpu.memref_slice %arg21[%dma_wait3A_155] : memref<4x!tpu.dma_semaphore, #tpu.memory_space<semaphore_mem>> -> memref<1x!tpu.dma_semaphore, #tpu.memory_space<semaphore_mem>>
    %dma_wait3A_167 = tpu.memref_squeeze %dma_wait3A_166 : memref<1x!tpu.dma_semaphore, #tpu.memory_space<semaphore_mem>> -> memref<!tpu.dma_semaphore, #tpu.memory_space<semaphore_mem>>
    tpu.wait_indirect_dma semaphore(%dma_wait3A_167 : memref<!tpu.dma_semaphore, #tpu.memory_space<semaphore_mem>>) src(%dma_wait3A_165 : memref<100000x128xf32, #tpu.memory_space<hbm>>) dst(%dma_wait3A_159 : memref<128x128xf32, #tpu.memory_space<vmem>>)
    %dma_start3A_168 = arith.constant 1 : i32
    %dma_start3A_169 = arith.constant 1 : i32
    %dma_start3A_170 = arith.constant 0 : i32
    %dma_start3A_171 = arith.constant 0 : i32
    %dma_start3A_172 = tpu.memref_slice %arg19[%dma_start3A_168, %dma_start3A_170, %dma_start3A_171] : memref<4x128x128xf32, #tpu.memory_space<vmem>> -> memref<1x128x128xf32, #tpu.memory_space<vmem>>
    %dma_start3A_173 = tpu.memref_squeeze %dma_start3A_172 : memref<1x128x128xf32, #tpu.memory_space<vmem>> -> memref<128x128xf32, #tpu.memory_space<vmem>>
    %dma_start3A_174 = arith.constant 0 : i32
    %dma_start3A_175 = tpu.memref_slice %arg13[%mul3A_2, %dma_start3A_174] : memref<4096x128xf32, #tpu.memory_space<hbm>> -> memref<128x128xf32, #tpu.memory_space<hbm>>
    %dma_start3A_176 = tpu.memref_slice %arg25[%dma_start3A_169] : memref<3x!tpu.dma_semaphore, #tpu.memory_space<semaphore_mem>> -> memref<1x!tpu.dma_semaphore, #tpu.memory_space<semaphore_mem>>
    %dma_start3A_177 = tpu.memref_squeeze %dma_start3A_176 : memref<1x!tpu.dma_semaphore, #tpu.memory_space<semaphore_mem>> -> memref<!tpu.dma_semaphore, #tpu.memory_space<semaphore_mem>>
    %dma_start3A_178 = arith.constant 0 : i32
    %dma_start3A_179 = tpu.memref_slice %arg13[%mul3A_2, %dma_start3A_178] : memref<4096x128xf32, #tpu.memory_space<hbm>> -> memref<128x128xf32, #tpu.memory_space<hbm>>
    %dma_start3A_180 = arith.constant 0 : i32
    %dma_start3A_181 = arith.constant 0 : i32
    %dma_start3A_182 = tpu.memref_slice %arg19[%dma_start3A_168, %dma_start3A_180, %dma_start3A_181] : memref<4x128x128xf32, #tpu.memory_space<vmem>> -> memref<1x128x128xf32, #tpu.memory_space<vmem>>
    %dma_start3A_183 = tpu.memref_squeeze %dma_start3A_182 : memref<1x128x128xf32, #tpu.memory_space<vmem>> -> memref<128x128xf32, #tpu.memory_space<vmem>>
    tpu.enqueue_dma source(%dma_start3A_183 : memref<128x128xf32, #tpu.memory_space<vmem>>) target(%dma_start3A_179 : memref<128x128xf32, #tpu.memory_space<hbm>>) target_semaphore(%dma_start3A_177 : memref<!tpu.dma_semaphore, #tpu.memory_space<semaphore_mem>>)
    %dma_wait3A_184 = arith.constant 2 : i32
    %dma_wait3A_185 = arith.constant 2 : i32
    %dma_wait3A_186 = arith.constant 2 : i32
    %dma_wait3A_187 = arith.constant 0 : i32
    %dma_wait3A_188 = arith.constant 0 : i32
    %dma_wait3A_189 = tpu.memref_slice %arg19[%dma_wait3A_185, %dma_wait3A_187, %dma_wait3A_188] : memref<4x128x128xf32, #tpu.memory_space<vmem>> -> memref<1x128x128xf32, #tpu.memory_space<vmem>>
    %dma_wait3A_190 = tpu.memref_squeeze %dma_wait3A_189 : memref<1x128x128xf32, #tpu.memory_space<vmem>> -> memref<128x128xf32, #tpu.memory_space<vmem>>
    %dma_wait3A_191 = arith.constant 0 : i32
    %dma_wait3A_192 = tpu.memref_slice %arg16[%dma_wait3A_184, %dma_wait3A_191] : memref<3x128xi32, #tpu.memory_space<vmem>> -> memref<1x128xi32, #tpu.memory_space<vmem>>
    %dma_wait3A_193 = tpu.memref_squeeze %dma_wait3A_192 : memref<1x128xi32, #tpu.memory_space<vmem>> -> memref<128xi32, #tpu.memory_space<vmem>>
    %dma_wait3A_194 = arith.constant 0 : i32
    %dma_wait3A_195 = arith.constant 0 : i32
    %dma_wait3A_196 = tpu.memref_slice %arg10[%dma_wait3A_194, %dma_wait3A_195] : memref<1000x128xf32, #tpu.memory_space<hbm>> -> memref<1000x128xf32, #tpu.memory_space<hbm>>
    %dma_wait3A_197 = tpu.memref_slice %arg21[%dma_wait3A_186] : memref<4x!tpu.dma_semaphore, #tpu.memory_space<semaphore_mem>> -> memref<1x!tpu.dma_semaphore, #tpu.memory_space<semaphore_mem>>
    %dma_wait3A_198 = tpu.memref_squeeze %dma_wait3A_197 : memref<1x!tpu.dma_semaphore, #tpu.memory_space<semaphore_mem>> -> memref<!tpu.dma_semaphore, #tpu.memory_space<semaphore_mem>>
    tpu.wait_indirect_dma semaphore(%dma_wait3A_198 : memref<!tpu.dma_semaphore, #tpu.memory_space<semaphore_mem>>) src(%dma_wait3A_196 : memref<1000x128xf32, #tpu.memory_space<hbm>>) dst(%dma_wait3A_190 : memref<128x128xf32, #tpu.memory_space<vmem>>)
    %dma_start3A_199 = arith.constant 2 : i32
    %dma_start3A_200 = arith.constant 2 : i32
    %dma_start3A_201 = arith.constant 0 : i32
    %dma_start3A_202 = arith.constant 0 : i32
    %dma_start3A_203 = tpu.memref_slice %arg19[%dma_start3A_199, %dma_start3A_201, %dma_start3A_202] : memref<4x128x128xf32, #tpu.memory_space<vmem>> -> memref<1x128x128xf32, #tpu.memory_space<vmem>>
    %dma_start3A_204 = tpu.memref_squeeze %dma_start3A_203 : memref<1x128x128xf32, #tpu.memory_space<vmem>> -> memref<128x128xf32, #tpu.memory_space<vmem>>
    %dma_start3A_205 = arith.constant 0 : i32
    %dma_start3A_206 = tpu.memref_slice %arg14[%mul3A_2, %dma_start3A_205] : memref<4096x128xf32, #tpu.memory_space<hbm>> -> memref<128x128xf32, #tpu.memory_space<hbm>>
    %dma_start3A_207 = tpu.memref_slice %arg25[%dma_start3A_200] : memref<3x!tpu.dma_semaphore, #tpu.memory_space<semaphore_mem>> -> memref<1x!tpu.dma_semaphore, #tpu.memory_space<semaphore_mem>>
    %dma_start3A_208 = tpu.memref_squeeze %dma_start3A_207 : memref<1x!tpu.dma_semaphore, #tpu.memory_space<semaphore_mem>> -> memref<!tpu.dma_semaphore, #tpu.memory_space<semaphore_mem>>
    %dma_start3A_209 = arith.constant 0 : i32
    %dma_start3A_210 = tpu.memref_slice %arg14[%mul3A_2, %dma_start3A_209] : memref<4096x128xf32, #tpu.memory_space<hbm>> -> memref<128x128xf32, #tpu.memory_space<hbm>>
    %dma_start3A_211 = arith.constant 0 : i32
    %dma_start3A_212 = arith.constant 0 : i32
    %dma_start3A_213 = tpu.memref_slice %arg19[%dma_start3A_199, %dma_start3A_211, %dma_start3A_212] : memref<4x128x128xf32, #tpu.memory_space<vmem>> -> memref<1x128x128xf32, #tpu.memory_space<vmem>>
    %dma_start3A_214 = tpu.memref_squeeze %dma_start3A_213 : memref<1x128x128xf32, #tpu.memory_space<vmem>> -> memref<128x128xf32, #tpu.memory_space<vmem>>
    tpu.enqueue_dma source(%dma_start3A_214 : memref<128x128xf32, #tpu.memory_space<vmem>>) target(%dma_start3A_210 : memref<128x128xf32, #tpu.memory_space<hbm>>) target_semaphore(%dma_start3A_208 : memref<!tpu.dma_semaphore, #tpu.memory_space<semaphore_mem>>)
    "tpu.region"() ({
      %run_scoped3A = tpu.sem_alloc : memref<!tpu.dma_semaphore, #tpu.memory_space<semaphore_mem>>
      tpu.enqueue_dma source(%arg6 : memref<8x128xi32, #tpu.memory_space<hbm>>) target(%arg18 : memref<8x128xi32, #tpu.memory_space<vmem>>) target_semaphore(%run_scoped3A : memref<!tpu.dma_semaphore, #tpu.memory_space<semaphore_mem>>)
      tpu.wait_dma2 semaphore(%run_scoped3A : memref<!tpu.dma_semaphore, #tpu.memory_space<semaphore_mem>>) src(%arg6 : memref<8x128xi32, #tpu.memory_space<hbm>>) dst(%arg18 : memref<8x128xi32, #tpu.memory_space<vmem>>)
      tpu.yield
    }) : () -> ()
    %mul3A_215 = arith.constant 20 : i32
    %mul3A_216 = arith.muli %mul3A_2, %mul3A_215 : i32
    "tpu.region"() ({
      %run_scoped3A = tpu.sem_alloc : memref<!tpu.dma_semaphore, #tpu.memory_space<semaphore_mem>>
      %dma_start3A_388 = tpu.memref_slice %arg5[%mul3A_216] : memref<81920xi32, #tpu.memory_space<hbm>> -> memref<2560xi32, #tpu.memory_space<hbm>>
      %dma_start3A_389 = tpu.memref_slice %arg5[%mul3A_216] : memref<81920xi32, #tpu.memory_space<hbm>> -> memref<2560xi32, #tpu.memory_space<hbm>>
      tpu.enqueue_dma source(%dma_start3A_389 : memref<2560xi32, #tpu.memory_space<hbm>>) target(%arg17 : memref<2560xi32, #tpu.memory_space<vmem>>) target_semaphore(%run_scoped3A : memref<!tpu.dma_semaphore, #tpu.memory_space<semaphore_mem>>)
      %dma_wait3A_390 = tpu.memref_slice %arg5[%mul3A_216] : memref<81920xi32, #tpu.memory_space<hbm>> -> memref<2560xi32, #tpu.memory_space<hbm>>
      %dma_wait3A_391 = tpu.memref_slice %arg5[%mul3A_216] : memref<81920xi32, #tpu.memory_space<hbm>> -> memref<2560xi32, #tpu.memory_space<hbm>>
      tpu.wait_dma2 semaphore(%run_scoped3A : memref<!tpu.dma_semaphore, #tpu.memory_space<semaphore_mem>>) src(%dma_wait3A_391 : memref<2560xi32, #tpu.memory_space<hbm>>) dst(%arg17 : memref<2560xi32, #tpu.memory_space<vmem>>)
      tpu.yield
    }) : () -> ()
    %dma_wait3A_217 = arith.constant 0 : i32
    %dma_wait3A_218 = arith.constant 0 : i32
    %dma_wait3A_219 = tpu.memref_slice %arg20[%arg1, %dma_wait3A_217, %dma_wait3A_218] : memref<16x128x128xf32, #tpu.memory_space<vmem_shared>> -> memref<1x128x128xf32, #tpu.memory_space<vmem_shared>>
    %dma_wait3A_220 = tpu.memref_squeeze %dma_wait3A_219 : memref<1x128x128xf32, #tpu.memory_space<vmem_shared>> -> memref<128x128xf32, #tpu.memory_space<vmem_shared>>
    tpu.wait_dma2 semaphore(%arg23 : memref<!tpu.dma_semaphore, #tpu.memory_space<semaphore_mem>>) src(%arg7 : memref<128x128xf32, #tpu.memory_space<hbm>>) dst(%dma_wait3A_220 : memref<128x128xf32, #tpu.memory_space<vmem_shared>>)
    %dma_wait3A_221 = arith.constant 0 : i32
    %dma_wait3A_222 = arith.constant 0 : i32
    %dma_wait3A_223 = arith.constant 0 : i32
    %dma_wait3A_224 = arith.constant 0 : i32
    %dma_wait3A_225 = tpu.memref_slice %arg19[%dma_wait3A_221, %dma_wait3A_223, %dma_wait3A_224] : memref<4x128x128xf32, #tpu.memory_space<vmem>> -> memref<1x128x128xf32, #tpu.memory_space<vmem>>
    %dma_wait3A_226 = tpu.memref_squeeze %dma_wait3A_225 : memref<1x128x128xf32, #tpu.memory_space<vmem>> -> memref<128x128xf32, #tpu.memory_space<vmem>>
    %dma_wait3A_227 = arith.constant 0 : i32
    %dma_wait3A_228 = tpu.memref_slice %arg12[%mul3A_2, %dma_wait3A_227] : memref<4096x128xf32, #tpu.memory_space<hbm>> -> memref<128x128xf32, #tpu.memory_space<hbm>>
    %dma_wait3A_229 = tpu.memref_slice %arg25[%dma_wait3A_222] : memref<3x!tpu.dma_semaphore, #tpu.memory_space<semaphore_mem>> -> memref<1x!tpu.dma_semaphore, #tpu.memory_space<semaphore_mem>>
    %dma_wait3A_230 = tpu.memref_squeeze %dma_wait3A_229 : memref<1x!tpu.dma_semaphore, #tpu.memory_space<semaphore_mem>> -> memref<!tpu.dma_semaphore, #tpu.memory_space<semaphore_mem>>
    %dma_wait3A_231 = arith.constant 0 : i32
    %dma_wait3A_232 = tpu.memref_slice %arg12[%mul3A_2, %dma_wait3A_231] : memref<4096x128xf32, #tpu.memory_space<hbm>> -> memref<128x128xf32, #tpu.memory_space<hbm>>
    %dma_wait3A_233 = arith.constant 0 : i32
    %dma_wait3A_234 = arith.constant 0 : i32
    %dma_wait3A_235 = tpu.memref_slice %arg19[%dma_wait3A_221, %dma_wait3A_233, %dma_wait3A_234] : memref<4x128x128xf32, #tpu.memory_space<vmem>> -> memref<1x128x128xf32, #tpu.memory_space<vmem>>
    %dma_wait3A_236 = tpu.memref_squeeze %dma_wait3A_235 : memref<1x128x128xf32, #tpu.memory_space<vmem>> -> memref<128x128xf32, #tpu.memory_space<vmem>>
    tpu.wait_dma2 semaphore(%dma_wait3A_230 : memref<!tpu.dma_semaphore, #tpu.memory_space<semaphore_mem>>) src(%dma_wait3A_236 : memref<128x128xf32, #tpu.memory_space<vmem>>) dst(%dma_wait3A_232 : memref<128x128xf32, #tpu.memory_space<hbm>>)
    %dma_wait3A_237 = arith.constant 1 : i32
    %dma_wait3A_238 = arith.constant 1 : i32
    %dma_wait3A_239 = arith.constant 0 : i32
    %dma_wait3A_240 = arith.constant 0 : i32
    %dma_wait3A_241 = tpu.memref_slice %arg19[%dma_wait3A_237, %dma_wait3A_239, %dma_wait3A_240] : memref<4x128x128xf32, #tpu.memory_space<vmem>> -> memref<1x128x128xf32, #tpu.memory_space<vmem>>
    %dma_wait3A_242 = tpu.memref_squeeze %dma_wait3A_241 : memref<1x128x128xf32, #tpu.memory_space<vmem>> -> memref<128x128xf32, #tpu.memory_space<vmem>>
    %dma_wait3A_243 = arith.constant 0 : i32
    %dma_wait3A_244 = tpu.memref_slice %arg13[%mul3A_2, %dma_wait3A_243] : memref<4096x128xf32, #tpu.memory_space<hbm>> -> memref<128x128xf32, #tpu.memory_space<hbm>>
    %dma_wait3A_245 = tpu.memref_slice %arg25[%dma_wait3A_238] : memref<3x!tpu.dma_semaphore, #tpu.memory_space<semaphore_mem>> -> memref<1x!tpu.dma_semaphore, #tpu.memory_space<semaphore_mem>>
    %dma_wait3A_246 = tpu.memref_squeeze %dma_wait3A_245 : memref<1x!tpu.dma_semaphore, #tpu.memory_space<semaphore_mem>> -> memref<!tpu.dma_semaphore, #tpu.memory_space<semaphore_mem>>
    %dma_wait3A_247 = arith.constant 0 : i32
    %dma_wait3A_248 = tpu.memref_slice %arg13[%mul3A_2, %dma_wait3A_247] : memref<4096x128xf32, #tpu.memory_space<hbm>> -> memref<128x128xf32, #tpu.memory_space<hbm>>
    %dma_wait3A_249 = arith.constant 0 : i32
    %dma_wait3A_250 = arith.constant 0 : i32
    %dma_wait3A_251 = tpu.memref_slice %arg19[%dma_wait3A_237, %dma_wait3A_249, %dma_wait3A_250] : memref<4x128x128xf32, #tpu.memory_space<vmem>> -> memref<1x128x128xf32, #tpu.memory_space<vmem>>
    %dma_wait3A_252 = tpu.memref_squeeze %dma_wait3A_251 : memref<1x128x128xf32, #tpu.memory_space<vmem>> -> memref<128x128xf32, #tpu.memory_space<vmem>>
    tpu.wait_dma2 semaphore(%dma_wait3A_246 : memref<!tpu.dma_semaphore, #tpu.memory_space<semaphore_mem>>) src(%dma_wait3A_252 : memref<128x128xf32, #tpu.memory_space<vmem>>) dst(%dma_wait3A_248 : memref<128x128xf32, #tpu.memory_space<hbm>>)
    %dma_wait3A_253 = arith.constant 2 : i32
    %dma_wait3A_254 = arith.constant 2 : i32
    %dma_wait3A_255 = arith.constant 0 : i32
    %dma_wait3A_256 = arith.constant 0 : i32
    %dma_wait3A_257 = tpu.memref_slice %arg19[%dma_wait3A_253, %dma_wait3A_255, %dma_wait3A_256] : memref<4x128x128xf32, #tpu.memory_space<vmem>> -> memref<1x128x128xf32, #tpu.memory_space<vmem>>
    %dma_wait3A_258 = tpu.memref_squeeze %dma_wait3A_257 : memref<1x128x128xf32, #tpu.memory_space<vmem>> -> memref<128x128xf32, #tpu.memory_space<vmem>>
    %dma_wait3A_259 = arith.constant 0 : i32
    %dma_wait3A_260 = tpu.memref_slice %arg14[%mul3A_2, %dma_wait3A_259] : memref<4096x128xf32, #tpu.memory_space<hbm>> -> memref<128x128xf32, #tpu.memory_space<hbm>>
    %dma_wait3A_261 = tpu.memref_slice %arg25[%dma_wait3A_254] : memref<3x!tpu.dma_semaphore, #tpu.memory_space<semaphore_mem>> -> memref<1x!tpu.dma_semaphore, #tpu.memory_space<semaphore_mem>>
    %dma_wait3A_262 = tpu.memref_squeeze %dma_wait3A_261 : memref<1x!tpu.dma_semaphore, #tpu.memory_space<semaphore_mem>> -> memref<!tpu.dma_semaphore, #tpu.memory_space<semaphore_mem>>
    %dma_wait3A_263 = arith.constant 0 : i32
    %dma_wait3A_264 = tpu.memref_slice %arg14[%mul3A_2, %dma_wait3A_263] : memref<4096x128xf32, #tpu.memory_space<hbm>> -> memref<128x128xf32, #tpu.memory_space<hbm>>
    %dma_wait3A_265 = arith.constant 0 : i32
    %dma_wait3A_266 = arith.constant 0 : i32
    %dma_wait3A_267 = tpu.memref_slice %arg19[%dma_wait3A_253, %dma_wait3A_265, %dma_wait3A_266] : memref<4x128x128xf32, #tpu.memory_space<vmem>> -> memref<1x128x128xf32, #tpu.memory_space<vmem>>
    %dma_wait3A_268 = tpu.memref_squeeze %dma_wait3A_267 : memref<1x128x128xf32, #tpu.memory_space<vmem>> -> memref<128x128xf32, #tpu.memory_space<vmem>>
    tpu.wait_dma2 semaphore(%dma_wait3A_262 : memref<!tpu.dma_semaphore, #tpu.memory_space<semaphore_mem>>) src(%dma_wait3A_268 : memref<128x128xf32, #tpu.memory_space<vmem>>) dst(%dma_wait3A_264 : memref<128x128xf32, #tpu.memory_space<hbm>>)
    %dma_start3A_269 = arith.constant 0 : i32
    %dma_start3A_270 = arith.constant 0 : i32
    %dma_start3A_271 = arith.constant 0 : i32
    %dma_start3A_272 = arith.constant 0 : i32
    %dma_start3A_273 = tpu.memref_slice %arg19[%dma_start3A_269, %dma_start3A_271, %dma_start3A_272] : memref<4x128x128xf32, #tpu.memory_space<vmem>> -> memref<1x128x128xf32, #tpu.memory_space<vmem>>
    %dma_start3A_274 = tpu.memref_squeeze %dma_start3A_273 : memref<1x128x128xf32, #tpu.memory_space<vmem>> -> memref<128x128xf32, #tpu.memory_space<vmem>>
    %dma_start3A_275 = arith.constant 0 : i32
    %dma_start3A_276 = tpu.memref_slice %arg17[%dma_start3A_275] : memref<2560xi32, #tpu.memory_space<vmem>> -> memref<128xi32, #tpu.memory_space<vmem>>
    %dma_start3A_277 = arith.constant 0 : i32
    %dma_start3A_278 = arith.constant 0 : i32
    %dma_start3A_279 = tpu.memref_slice %arg11[%dma_start3A_277, %dma_start3A_278] : memref<100000x128xf32, #tpu.memory_space<hbm>> -> memref<100000x128xf32, #tpu.memory_space<hbm>>
    %dma_start3A_280 = tpu.memref_slice %arg21[%dma_start3A_270] : memref<4x!tpu.dma_semaphore, #tpu.memory_space<semaphore_mem>> -> memref<1x!tpu.dma_semaphore, #tpu.memory_space<semaphore_mem>>
    %dma_start3A_281 = tpu.memref_squeeze %dma_start3A_280 : memref<1x!tpu.dma_semaphore, #tpu.memory_space<semaphore_mem>> -> memref<!tpu.dma_semaphore, #tpu.memory_space<semaphore_mem>>
    tpu.enqueue_indirect_dma source(%dma_start3A_279 : memref<100000x128xf32, #tpu.memory_space<hbm>>) target(%dma_start3A_274 : memref<128x128xf32, #tpu.memory_space<vmem>>) offsets(%dma_start3A_276 : memref<128xi32, #tpu.memory_space<vmem>>) semaphore(%dma_start3A_281 : memref<!tpu.dma_semaphore, #tpu.memory_space<semaphore_mem>>)
    %dma_start3A_282 = arith.constant 1 : i32
    %dma_start3A_283 = arith.constant 1 : i32
    %dma_start3A_284 = arith.constant 0 : i32
    %dma_start3A_285 = arith.constant 0 : i32
    %dma_start3A_286 = tpu.memref_slice %arg19[%dma_start3A_282, %dma_start3A_284, %dma_start3A_285] : memref<4x128x128xf32, #tpu.memory_space<vmem>> -> memref<1x128x128xf32, #tpu.memory_space<vmem>>
    %dma_start3A_287 = tpu.memref_squeeze %dma_start3A_286 : memref<1x128x128xf32, #tpu.memory_space<vmem>> -> memref<128x128xf32, #tpu.memory_space<vmem>>
    %dma_start3A_288 = arith.constant 128 : i32
    %dma_start3A_289 = tpu.memref_slice %arg17[%dma_start3A_288] : memref<2560xi32, #tpu.memory_space<vmem>> -> memref<128xi32, #tpu.memory_space<vmem>>
    %dma_start3A_290 = arith.constant 0 : i32
    %dma_start3A_291 = arith.constant 0 : i32
    %dma_start3A_292 = tpu.memref_slice %arg11[%dma_start3A_290, %dma_start3A_291] : memref<100000x128xf32, #tpu.memory_space<hbm>> -> memref<100000x128xf32, #tpu.memory_space<hbm>>
    %dma_start3A_293 = tpu.memref_slice %arg21[%dma_start3A_283] : memref<4x!tpu.dma_semaphore, #tpu.memory_space<semaphore_mem>> -> memref<1x!tpu.dma_semaphore, #tpu.memory_space<semaphore_mem>>
    %dma_start3A_294 = tpu.memref_squeeze %dma_start3A_293 : memref<1x!tpu.dma_semaphore, #tpu.memory_space<semaphore_mem>> -> memref<!tpu.dma_semaphore, #tpu.memory_space<semaphore_mem>>
    tpu.enqueue_indirect_dma source(%dma_start3A_292 : memref<100000x128xf32, #tpu.memory_space<hbm>>) target(%dma_start3A_287 : memref<128x128xf32, #tpu.memory_space<vmem>>) offsets(%dma_start3A_289 : memref<128xi32, #tpu.memory_space<vmem>>) semaphore(%dma_start3A_294 : memref<!tpu.dma_semaphore, #tpu.memory_space<semaphore_mem>>)
    %dma_start3A_295 = arith.constant 2 : i32
    %dma_start3A_296 = arith.constant 2 : i32
    %dma_start3A_297 = arith.constant 0 : i32
    %dma_start3A_298 = arith.constant 0 : i32
    %dma_start3A_299 = tpu.memref_slice %arg19[%dma_start3A_295, %dma_start3A_297, %dma_start3A_298] : memref<4x128x128xf32, #tpu.memory_space<vmem>> -> memref<1x128x128xf32, #tpu.memory_space<vmem>>
    %dma_start3A_300 = tpu.memref_squeeze %dma_start3A_299 : memref<1x128x128xf32, #tpu.memory_space<vmem>> -> memref<128x128xf32, #tpu.memory_space<vmem>>
    %dma_start3A_301 = arith.constant 256 : i32
    %dma_start3A_302 = tpu.memref_slice %arg17[%dma_start3A_301] : memref<2560xi32, #tpu.memory_space<vmem>> -> memref<128xi32, #tpu.memory_space<vmem>>
    %dma_start3A_303 = arith.constant 0 : i32
    %dma_start3A_304 = arith.constant 0 : i32
    %dma_start3A_305 = tpu.memref_slice %arg11[%dma_start3A_303, %dma_start3A_304] : memref<100000x128xf32, #tpu.memory_space<hbm>> -> memref<100000x128xf32, #tpu.memory_space<hbm>>
    %dma_start3A_306 = tpu.memref_slice %arg21[%dma_start3A_296] : memref<4x!tpu.dma_semaphore, #tpu.memory_space<semaphore_mem>> -> memref<1x!tpu.dma_semaphore, #tpu.memory_space<semaphore_mem>>
    %dma_start3A_307 = tpu.memref_squeeze %dma_start3A_306 : memref<1x!tpu.dma_semaphore, #tpu.memory_space<semaphore_mem>> -> memref<!tpu.dma_semaphore, #tpu.memory_space<semaphore_mem>>
    tpu.enqueue_indirect_dma source(%dma_start3A_305 : memref<100000x128xf32, #tpu.memory_space<hbm>>) target(%dma_start3A_300 : memref<128x128xf32, #tpu.memory_space<vmem>>) offsets(%dma_start3A_302 : memref<128xi32, #tpu.memory_space<vmem>>) semaphore(%dma_start3A_307 : memref<!tpu.dma_semaphore, #tpu.memory_space<semaphore_mem>>)
    %scan3A = arith.constant 0 : i32
    %scan3A_308 = arith.constant 20 : i32
    %scan3A_309 = arith.addi %scan3A, %scan3A_308 : i32
    %scan3A_310 = arith.constant 1 : i32
    scf.for %scan3A_388 = %scan3A to %scan3A_309 step %scan3A_310  : i32 {
      %mul3A_389 = arith.constant 1 : i32
      %mul3A_390 = arith.muli %scan3A_388, %mul3A_389 : i32
      %add3A_391 = arith.constant 0 : i32
      %add3A_392 = arith.addi %add3A_391, %mul3A_390 : i32
      %rem3A = arith.constant 4 : i32
      %rem3A_393 = arith.remsi %add3A_392, %rem3A : i32
      %mul3A_394 = arith.constant 128 : i32
      %mul3A_395 = arith.muli %add3A_392, %mul3A_394 : i32
      %dma_wait3A_396 = arith.constant 0 : i32
      %dma_wait3A_397 = arith.constant 0 : i32
      %dma_wait3A_398 = tpu.memref_slice %arg19[%rem3A_393, %dma_wait3A_396, %dma_wait3A_397] : memref<4x128x128xf32, #tpu.memory_space<vmem>> -> memref<1x128x128xf32, #tpu.memory_space<vmem>>
      %dma_wait3A_399 = tpu.memref_squeeze %dma_wait3A_398 : memref<1x128x128xf32, #tpu.memory_space<vmem>> -> memref<128x128xf32, #tpu.memory_space<vmem>>
      %dma_wait3A_400 = tpu.memref_slice %arg17[%mul3A_395] : memref<2560xi32, #tpu.memory_space<vmem>> -> memref<128xi32, #tpu.memory_space<vmem>>
      %dma_wait3A_401 = arith.constant 0 : i32
      %dma_wait3A_402 = arith.constant 0 : i32
      %dma_wait3A_403 = tpu.memref_slice %arg11[%dma_wait3A_401, %dma_wait3A_402] : memref<100000x128xf32, #tpu.memory_space<hbm>> -> memref<100000x128xf32, #tpu.memory_space<hbm>>
      %dma_wait3A_404 = tpu.memref_slice %arg21[%rem3A_393] : memref<4x!tpu.dma_semaphore, #tpu.memory_space<semaphore_mem>> -> memref<1x!tpu.dma_semaphore, #tpu.memory_space<semaphore_mem>>
      %dma_wait3A_405 = tpu.memref_squeeze %dma_wait3A_404 : memref<1x!tpu.dma_semaphore, #tpu.memory_space<semaphore_mem>> -> memref<!tpu.dma_semaphore, #tpu.memory_space<semaphore_mem>>
      tpu.wait_indirect_dma semaphore(%dma_wait3A_405 : memref<!tpu.dma_semaphore, #tpu.memory_space<semaphore_mem>>) src(%dma_wait3A_403 : memref<100000x128xf32, #tpu.memory_space<hbm>>) dst(%dma_wait3A_399 : memref<128x128xf32, #tpu.memory_space<vmem>>)
      %dma_start3A_406 = arith.constant 0 : i32
      %dma_start3A_407 = arith.constant 0 : i32
      %dma_start3A_408 = arith.constant 0 : i32
      %dma_start3A_409 = tpu.memref_slice %arg19[%rem3A_393, %dma_start3A_407, %dma_start3A_408] : memref<4x128x128xf32, #tpu.memory_space<vmem>> -> memref<1x128x128xf32, #tpu.memory_space<vmem>>
      %dma_start3A_410 = tpu.memref_squeeze %dma_start3A_409 : memref<1x128x128xf32, #tpu.memory_space<vmem>> -> memref<128x128xf32, #tpu.memory_space<vmem>>
      %dma_start3A_411 = arith.constant 0 : i32
      %dma_start3A_412 = tpu.memref_slice %arg18[%dma_start3A_406, %dma_start3A_411] : memref<8x128xi32, #tpu.memory_space<vmem>> -> memref<1x128xi32, #tpu.memory_space<vmem>>
      %dma_start3A_413 = tpu.memref_squeeze %dma_start3A_412 : memref<1x128xi32, #tpu.memory_space<vmem>> -> memref<128xi32, #tpu.memory_space<vmem>>
      %dma_start3A_414 = arith.constant 0 : i32
      %dma_start3A_415 = arith.constant 0 : i32
      %dma_start3A_416 = tpu.memref_slice %arg20[%arg1, %dma_start3A_414, %dma_start3A_415] : memref<16x128x128xf32, #tpu.memory_space<vmem_shared>> -> memref<1x128x128xf32, #tpu.memory_space<vmem_shared>>
      %dma_start3A_417 = tpu.memref_squeeze %dma_start3A_416 : memref<1x128x128xf32, #tpu.memory_space<vmem_shared>> -> memref<128x128xf32, #tpu.memory_space<vmem_shared>>
      %dma_start3A_418 = arith.constant 0 : i32
      %dma_start3A_419 = arith.constant 0 : i32
      %dma_start3A_420 = tpu.memref_slice %dma_start3A_417[%dma_start3A_418, %dma_start3A_419] : memref<128x128xf32, #tpu.memory_space<vmem_shared>> -> memref<128x128xf32, #tpu.memory_space<vmem_shared>>
      %dma_start3A_421 = tpu.memref_slice %arg22[%rem3A_393] : memref<4x!tpu.dma_semaphore, #tpu.memory_space<semaphore_mem>> -> memref<1x!tpu.dma_semaphore, #tpu.memory_space<semaphore_mem>>
      %dma_start3A_422 = tpu.memref_squeeze %dma_start3A_421 : memref<1x!tpu.dma_semaphore, #tpu.memory_space<semaphore_mem>> -> memref<!tpu.dma_semaphore, #tpu.memory_space<semaphore_mem>>
      tpu.enqueue_indirect_dma source(%dma_start3A_410 : memref<128x128xf32, #tpu.memory_space<vmem>>) target(%dma_start3A_420 : memref<128x128xf32, #tpu.memory_space<vmem_shared>>) offsets(%dma_start3A_413 : memref<128xi32, #tpu.memory_space<vmem>>) semaphore(%dma_start3A_422 : memref<!tpu.dma_semaphore, #tpu.memory_space<semaphore_mem>>) {add = true}
      %add3A_423 = arith.constant 4 : i32
      %add3A_424 = arith.addi %add3A_392, %add3A_423 : i32
      %sub3A = arith.constant 1 : i32
      %sub3A_425 = arith.subi %add3A_424, %sub3A : i32
      %lt3A = arith.constant 20 : i32
      %lt3A_426 = arith.cmpi slt, %sub3A_425, %lt3A : i32
      %convert_element_type3A = arith.extui %lt3A_426 : i1 to i32
      %cond3A = arith.constant 0 : i32
      %cond3A_427 = arith.cmpi ne, %convert_element_type3A, %cond3A : i32
      scf.if %cond3A_427 {
        %rem3A_428 = arith.constant 4 : i32
        %rem3A_429 = arith.remsi %sub3A_425, %rem3A_428 : i32
        %ge3A = arith.constant 4 : i32
        %ge3A_430 = arith.cmpi sge, %sub3A_425, %ge3A : i32
        %convert_element_type3A_431 = arith.extui %ge3A_430 : i1 to i32
        %cond3A_432 = arith.constant 0 : i32
        %cond3A_433 = arith.cmpi ne, %convert_element_type3A_431, %cond3A_432 : i32
        scf.if %cond3A_433 {
          %sub3A_446 = arith.constant 4 : i32
          %sub3A_447 = arith.subi %sub3A_425, %sub3A_446 : i32
          %dma_wait3A_448 = arith.constant 0 : i32
          %dma_wait3A_449 = arith.constant 0 : i32
          %dma_wait3A_450 = arith.constant 0 : i32
          %dma_wait3A_451 = tpu.memref_slice %arg19[%rem3A_429, %dma_wait3A_449, %dma_wait3A_450] : memref<4x128x128xf32, #tpu.memory_space<vmem>> -> memref<1x128x128xf32, #tpu.memory_space<vmem>>
          %dma_wait3A_452 = tpu.memref_squeeze %dma_wait3A_451 : memref<1x128x128xf32, #tpu.memory_space<vmem>> -> memref<128x128xf32, #tpu.memory_space<vmem>>
          %dma_wait3A_453 = arith.constant 0 : i32
          %dma_wait3A_454 = tpu.memref_slice %arg18[%dma_wait3A_448, %dma_wait3A_453] : memref<8x128xi32, #tpu.memory_space<vmem>> -> memref<1x128xi32, #tpu.memory_space<vmem>>
          %dma_wait3A_455 = tpu.memref_squeeze %dma_wait3A_454 : memref<1x128xi32, #tpu.memory_space<vmem>> -> memref<128xi32, #tpu.memory_space<vmem>>
          %dma_wait3A_456 = arith.constant 0 : i32
          %dma_wait3A_457 = arith.constant 0 : i32
          %dma_wait3A_458 = tpu.memref_slice %arg20[%arg1, %dma_wait3A_456, %dma_wait3A_457] : memref<16x128x128xf32, #tpu.memory_space<vmem_shared>> -> memref<1x128x128xf32, #tpu.memory_space<vmem_shared>>
          %dma_wait3A_459 = tpu.memref_squeeze %dma_wait3A_458 : memref<1x128x128xf32, #tpu.memory_space<vmem_shared>> -> memref<128x128xf32, #tpu.memory_space<vmem_shared>>
          %dma_wait3A_460 = arith.constant 0 : i32
          %dma_wait3A_461 = arith.constant 0 : i32
          %dma_wait3A_462 = tpu.memref_slice %dma_wait3A_459[%dma_wait3A_460, %dma_wait3A_461] : memref<128x128xf32, #tpu.memory_space<vmem_shared>> -> memref<128x128xf32, #tpu.memory_space<vmem_shared>>
          %dma_wait3A_463 = tpu.memref_slice %arg22[%rem3A_429] : memref<4x!tpu.dma_semaphore, #tpu.memory_space<semaphore_mem>> -> memref<1x!tpu.dma_semaphore, #tpu.memory_space<semaphore_mem>>
          %dma_wait3A_464 = tpu.memref_squeeze %dma_wait3A_463 : memref<1x!tpu.dma_semaphore, #tpu.memory_space<semaphore_mem>> -> memref<!tpu.dma_semaphore, #tpu.memory_space<semaphore_mem>>
          tpu.wait_indirect_dma semaphore(%dma_wait3A_464 : memref<!tpu.dma_semaphore, #tpu.memory_space<semaphore_mem>>) src(%dma_wait3A_452 : memref<128x128xf32, #tpu.memory_space<vmem>>) dst(%dma_wait3A_462 : memref<128x128xf32, #tpu.memory_space<vmem_shared>>)
        } else {
        }
        %mul3A_434 = arith.constant 128 : i32
        %mul3A_435 = arith.muli %sub3A_425, %mul3A_434 : i32
        %dma_start3A_436 = arith.constant 0 : i32
        %dma_start3A_437 = arith.constant 0 : i32
        %dma_start3A_438 = tpu.memref_slice %arg19[%rem3A_429, %dma_start3A_436, %dma_start3A_437] : memref<4x128x128xf32, #tpu.memory_space<vmem>> -> memref<1x128x128xf32, #tpu.memory_space<vmem>>
        %dma_start3A_439 = tpu.memref_squeeze %dma_start3A_438 : memref<1x128x128xf32, #tpu.memory_space<vmem>> -> memref<128x128xf32, #tpu.memory_space<vmem>>
        %dma_start3A_440 = tpu.memref_slice %arg17[%mul3A_435] : memref<2560xi32, #tpu.memory_space<vmem>> -> memref<128xi32, #tpu.memory_space<vmem>>
        %dma_start3A_441 = arith.constant 0 : i32
        %dma_start3A_442 = arith.constant 0 : i32
        %dma_start3A_443 = tpu.memref_slice %arg11[%dma_start3A_441, %dma_start3A_442] : memref<100000x128xf32, #tpu.memory_space<hbm>> -> memref<100000x128xf32, #tpu.memory_space<hbm>>
        %dma_start3A_444 = tpu.memref_slice %arg21[%rem3A_429] : memref<4x!tpu.dma_semaphore, #tpu.memory_space<semaphore_mem>> -> memref<1x!tpu.dma_semaphore, #tpu.memory_space<semaphore_mem>>
        %dma_start3A_445 = tpu.memref_squeeze %dma_start3A_444 : memref<1x!tpu.dma_semaphore, #tpu.memory_space<semaphore_mem>> -> memref<!tpu.dma_semaphore, #tpu.memory_space<semaphore_mem>>
        tpu.enqueue_indirect_dma source(%dma_start3A_443 : memref<100000x128xf32, #tpu.memory_space<hbm>>) target(%dma_start3A_439 : memref<128x128xf32, #tpu.memory_space<vmem>>) offsets(%dma_start3A_440 : memref<128xi32, #tpu.memory_space<vmem>>) semaphore(%dma_start3A_445 : memref<!tpu.dma_semaphore, #tpu.memory_space<semaphore_mem>>)
      } else {
      }
    }
    %scan3A_311 = arith.constant 20 : i32
    %dma_wait3A_312 = arith.constant 0 : i32
    %dma_wait3A_313 = arith.constant 0 : i32
    %dma_wait3A_314 = arith.constant 0 : i32
    %dma_wait3A_315 = arith.constant 0 : i32
    %dma_wait3A_316 = arith.constant 0 : i32
    %dma_wait3A_317 = tpu.memref_slice %arg19[%dma_wait3A_312, %dma_wait3A_315, %dma_wait3A_316] : memref<4x128x128xf32, #tpu.memory_space<vmem>> -> memref<1x128x128xf32, #tpu.memory_space<vmem>>
    %dma_wait3A_318 = tpu.memref_squeeze %dma_wait3A_317 : memref<1x128x128xf32, #tpu.memory_space<vmem>> -> memref<128x128xf32, #tpu.memory_space<vmem>>
    %dma_wait3A_319 = arith.constant 0 : i32
    %dma_wait3A_320 = tpu.memref_slice %arg18[%dma_wait3A_313, %dma_wait3A_319] : memref<8x128xi32, #tpu.memory_space<vmem>> -> memref<1x128xi32, #tpu.memory_space<vmem>>
    %dma_wait3A_321 = tpu.memref_squeeze %dma_wait3A_320 : memref<1x128xi32, #tpu.memory_space<vmem>> -> memref<128xi32, #tpu.memory_space<vmem>>
    %dma_wait3A_322 = arith.constant 0 : i32
    %dma_wait3A_323 = arith.constant 0 : i32
    %dma_wait3A_324 = tpu.memref_slice %arg20[%arg1, %dma_wait3A_322, %dma_wait3A_323] : memref<16x128x128xf32, #tpu.memory_space<vmem_shared>> -> memref<1x128x128xf32, #tpu.memory_space<vmem_shared>>
    %dma_wait3A_325 = tpu.memref_squeeze %dma_wait3A_324 : memref<1x128x128xf32, #tpu.memory_space<vmem_shared>> -> memref<128x128xf32, #tpu.memory_space<vmem_shared>>
    %dma_wait3A_326 = arith.constant 0 : i32
    %dma_wait3A_327 = arith.constant 0 : i32
    %dma_wait3A_328 = tpu.memref_slice %dma_wait3A_325[%dma_wait3A_326, %dma_wait3A_327] : memref<128x128xf32, #tpu.memory_space<vmem_shared>> -> memref<128x128xf32, #tpu.memory_space<vmem_shared>>
    %dma_wait3A_329 = tpu.memref_slice %arg22[%dma_wait3A_314] : memref<4x!tpu.dma_semaphore, #tpu.memory_space<semaphore_mem>> -> memref<1x!tpu.dma_semaphore, #tpu.memory_space<semaphore_mem>>
    %dma_wait3A_330 = tpu.memref_squeeze %dma_wait3A_329 : memref<1x!tpu.dma_semaphore, #tpu.memory_space<semaphore_mem>> -> memref<!tpu.dma_semaphore, #tpu.memory_space<semaphore_mem>>
    tpu.wait_indirect_dma semaphore(%dma_wait3A_330 : memref<!tpu.dma_semaphore, #tpu.memory_space<semaphore_mem>>) src(%dma_wait3A_318 : memref<128x128xf32, #tpu.memory_space<vmem>>) dst(%dma_wait3A_328 : memref<128x128xf32, #tpu.memory_space<vmem_shared>>)
    %dma_wait3A_331 = arith.constant 1 : i32
    %dma_wait3A_332 = arith.constant 0 : i32
    %dma_wait3A_333 = arith.constant 1 : i32
    %dma_wait3A_334 = arith.constant 0 : i32
    %dma_wait3A_335 = arith.constant 0 : i32
    %dma_wait3A_336 = tpu.memref_slice %arg19[%dma_wait3A_331, %dma_wait3A_334, %dma_wait3A_335] : memref<4x128x128xf32, #tpu.memory_space<vmem>> -> memref<1x128x128xf32, #tpu.memory_space<vmem>>
    %dma_wait3A_337 = tpu.memref_squeeze %dma_wait3A_336 : memref<1x128x128xf32, #tpu.memory_space<vmem>> -> memref<128x128xf32, #tpu.memory_space<vmem>>
    %dma_wait3A_338 = arith.constant 0 : i32
    %dma_wait3A_339 = tpu.memref_slice %arg18[%dma_wait3A_332, %dma_wait3A_338] : memref<8x128xi32, #tpu.memory_space<vmem>> -> memref<1x128xi32, #tpu.memory_space<vmem>>
    %dma_wait3A_340 = tpu.memref_squeeze %dma_wait3A_339 : memref<1x128xi32, #tpu.memory_space<vmem>> -> memref<128xi32, #tpu.memory_space<vmem>>
    %dma_wait3A_341 = arith.constant 0 : i32
    %dma_wait3A_342 = arith.constant 0 : i32
    %dma_wait3A_343 = tpu.memref_slice %arg20[%arg1, %dma_wait3A_341, %dma_wait3A_342] : memref<16x128x128xf32, #tpu.memory_space<vmem_shared>> -> memref<1x128x128xf32, #tpu.memory_space<vmem_shared>>
    %dma_wait3A_344 = tpu.memref_squeeze %dma_wait3A_343 : memref<1x128x128xf32, #tpu.memory_space<vmem_shared>> -> memref<128x128xf32, #tpu.memory_space<vmem_shared>>
    %dma_wait3A_345 = arith.constant 0 : i32
    %dma_wait3A_346 = arith.constant 0 : i32
    %dma_wait3A_347 = tpu.memref_slice %dma_wait3A_344[%dma_wait3A_345, %dma_wait3A_346] : memref<128x128xf32, #tpu.memory_space<vmem_shared>> -> memref<128x128xf32, #tpu.memory_space<vmem_shared>>
    %dma_wait3A_348 = tpu.memref_slice %arg22[%dma_wait3A_333] : memref<4x!tpu.dma_semaphore, #tpu.memory_space<semaphore_mem>> -> memref<1x!tpu.dma_semaphore, #tpu.memory_space<semaphore_mem>>
    %dma_wait3A_349 = tpu.memref_squeeze %dma_wait3A_348 : memref<1x!tpu.dma_semaphore, #tpu.memory_space<semaphore_mem>> -> memref<!tpu.dma_semaphore, #tpu.memory_space<semaphore_mem>>
    tpu.wait_indirect_dma semaphore(%dma_wait3A_349 : memref<!tpu.dma_semaphore, #tpu.memory_space<semaphore_mem>>) src(%dma_wait3A_337 : memref<128x128xf32, #tpu.memory_space<vmem>>) dst(%dma_wait3A_347 : memref<128x128xf32, #tpu.memory_space<vmem_shared>>)
    %dma_wait3A_350 = arith.constant 2 : i32
    %dma_wait3A_351 = arith.constant 0 : i32
    %dma_wait3A_352 = arith.constant 2 : i32
    %dma_wait3A_353 = arith.constant 0 : i32
    %dma_wait3A_354 = arith.constant 0 : i32
    %dma_wait3A_355 = tpu.memref_slice %arg19[%dma_wait3A_350, %dma_wait3A_353, %dma_wait3A_354] : memref<4x128x128xf32, #tpu.memory_space<vmem>> -> memref<1x128x128xf32, #tpu.memory_space<vmem>>
    %dma_wait3A_356 = tpu.memref_squeeze %dma_wait3A_355 : memref<1x128x128xf32, #tpu.memory_space<vmem>> -> memref<128x128xf32, #tpu.memory_space<vmem>>
    %dma_wait3A_357 = arith.constant 0 : i32
    %dma_wait3A_358 = tpu.memref_slice %arg18[%dma_wait3A_351, %dma_wait3A_357] : memref<8x128xi32, #tpu.memory_space<vmem>> -> memref<1x128xi32, #tpu.memory_space<vmem>>
    %dma_wait3A_359 = tpu.memref_squeeze %dma_wait3A_358 : memref<1x128xi32, #tpu.memory_space<vmem>> -> memref<128xi32, #tpu.memory_space<vmem>>
    %dma_wait3A_360 = arith.constant 0 : i32
    %dma_wait3A_361 = arith.constant 0 : i32
    %dma_wait3A_362 = tpu.memref_slice %arg20[%arg1, %dma_wait3A_360, %dma_wait3A_361] : memref<16x128x128xf32, #tpu.memory_space<vmem_shared>> -> memref<1x128x128xf32, #tpu.memory_space<vmem_shared>>
    %dma_wait3A_363 = tpu.memref_squeeze %dma_wait3A_362 : memref<1x128x128xf32, #tpu.memory_space<vmem_shared>> -> memref<128x128xf32, #tpu.memory_space<vmem_shared>>
    %dma_wait3A_364 = arith.constant 0 : i32
    %dma_wait3A_365 = arith.constant 0 : i32
    %dma_wait3A_366 = tpu.memref_slice %dma_wait3A_363[%dma_wait3A_364, %dma_wait3A_365] : memref<128x128xf32, #tpu.memory_space<vmem_shared>> -> memref<128x128xf32, #tpu.memory_space<vmem_shared>>
    %dma_wait3A_367 = tpu.memref_slice %arg22[%dma_wait3A_352] : memref<4x!tpu.dma_semaphore, #tpu.memory_space<semaphore_mem>> -> memref<1x!tpu.dma_semaphore, #tpu.memory_space<semaphore_mem>>
    %dma_wait3A_368 = tpu.memref_squeeze %dma_wait3A_367 : memref<1x!tpu.dma_semaphore, #tpu.memory_space<semaphore_mem>> -> memref<!tpu.dma_semaphore, #tpu.memory_space<semaphore_mem>>
    tpu.wait_indirect_dma semaphore(%dma_wait3A_368 : memref<!tpu.dma_semaphore, #tpu.memory_space<semaphore_mem>>) src(%dma_wait3A_356 : memref<128x128xf32, #tpu.memory_space<vmem>>) dst(%dma_wait3A_366 : memref<128x128xf32, #tpu.memory_space<vmem_shared>>)
    %dma_wait3A_369 = arith.constant 3 : i32
    %dma_wait3A_370 = arith.constant 0 : i32
    %dma_wait3A_371 = arith.constant 3 : i32
    %dma_wait3A_372 = arith.constant 0 : i32
    %dma_wait3A_373 = arith.constant 0 : i32
    %dma_wait3A_374 = tpu.memref_slice %arg19[%dma_wait3A_369, %dma_wait3A_372, %dma_wait3A_373] : memref<4x128x128xf32, #tpu.memory_space<vmem>> -> memref<1x128x128xf32, #tpu.memory_space<vmem>>
    %dma_wait3A_375 = tpu.memref_squeeze %dma_wait3A_374 : memref<1x128x128xf32, #tpu.memory_space<vmem>> -> memref<128x128xf32, #tpu.memory_space<vmem>>
    %dma_wait3A_376 = arith.constant 0 : i32
    %dma_wait3A_377 = tpu.memref_slice %arg18[%dma_wait3A_370, %dma_wait3A_376] : memref<8x128xi32, #tpu.memory_space<vmem>> -> memref<1x128xi32, #tpu.memory_space<vmem>>
    %dma_wait3A_378 = tpu.memref_squeeze %dma_wait3A_377 : memref<1x128xi32, #tpu.memory_space<vmem>> -> memref<128xi32, #tpu.memory_space<vmem>>
    %dma_wait3A_379 = arith.constant 0 : i32
    %dma_wait3A_380 = arith.constant 0 : i32
    %dma_wait3A_381 = tpu.memref_slice %arg20[%arg1, %dma_wait3A_379, %dma_wait3A_380] : memref<16x128x128xf32, #tpu.memory_space<vmem_shared>> -> memref<1x128x128xf32, #tpu.memory_space<vmem_shared>>
    %dma_wait3A_382 = tpu.memref_squeeze %dma_wait3A_381 : memref<1x128x128xf32, #tpu.memory_space<vmem_shared>> -> memref<128x128xf32, #tpu.memory_space<vmem_shared>>
    %dma_wait3A_383 = arith.constant 0 : i32
    %dma_wait3A_384 = arith.constant 0 : i32
    %dma_wait3A_385 = tpu.memref_slice %dma_wait3A_382[%dma_wait3A_383, %dma_wait3A_384] : memref<128x128xf32, #tpu.memory_space<vmem_shared>> -> memref<128x128xf32, #tpu.memory_space<vmem_shared>>
    %dma_wait3A_386 = tpu.memref_slice %arg22[%dma_wait3A_371] : memref<4x!tpu.dma_semaphore, #tpu.memory_space<semaphore_mem>> -> memref<1x!tpu.dma_semaphore, #tpu.memory_space<semaphore_mem>>
    %dma_wait3A_387 = tpu.memref_squeeze %dma_wait3A_386 : memref<1x!tpu.dma_semaphore, #tpu.memory_space<semaphore_mem>> -> memref<!tpu.dma_semaphore, #tpu.memory_space<semaphore_mem>>
    tpu.wait_indirect_dma semaphore(%dma_wait3A_387 : memref<!tpu.dma_semaphore, #tpu.memory_space<semaphore_mem>>) src(%dma_wait3A_375 : memref<128x128xf32, #tpu.memory_space<vmem>>) dst(%dma_wait3A_385 : memref<128x128xf32, #tpu.memory_space<vmem_shared>>)
    "tpu.region"() ({
      %run_scoped3A = tpu.sem_alloc : memref<!tpu.dma_semaphore, #tpu.memory_space<semaphore_mem>>
      %dma_start3A_388 = arith.constant 0 : i32
      %dma_start3A_389 = tpu.memref_slice %arg15[%mul3A_2, %dma_start3A_388] : memref<4096x128xf32, #tpu.memory_space<hbm>> -> memref<128x128xf32, #tpu.memory_space<hbm>>
      %dma_start3A_390 = arith.constant 0 : i32
      %dma_start3A_391 = arith.constant 0 : i32
      %dma_start3A_392 = tpu.memref_slice %arg20[%arg1, %dma_start3A_390, %dma_start3A_391] : memref<16x128x128xf32, #tpu.memory_space<vmem_shared>> -> memref<1x128x128xf32, #tpu.memory_space<vmem_shared>>
      %dma_start3A_393 = tpu.memref_squeeze %dma_start3A_392 : memref<1x128x128xf32, #tpu.memory_space<vmem_shared>> -> memref<128x128xf32, #tpu.memory_space<vmem_shared>>
      tpu.enqueue_dma source(%dma_start3A_393 : memref<128x128xf32, #tpu.memory_space<vmem_shared>>) target(%dma_start3A_389 : memref<128x128xf32, #tpu.memory_space<hbm>>) target_semaphore(%run_scoped3A : memref<!tpu.dma_semaphore, #tpu.memory_space<semaphore_mem>>)
      %dma_wait3A_394 = arith.constant 0 : i32
      %dma_wait3A_395 = tpu.memref_slice %arg15[%mul3A_2, %dma_wait3A_394] : memref<4096x128xf32, #tpu.memory_space<hbm>> -> memref<128x128xf32, #tpu.memory_space<hbm>>
      %dma_wait3A_396 = arith.constant 0 : i32
      %dma_wait3A_397 = arith.constant 0 : i32
      %dma_wait3A_398 = tpu.memref_slice %arg20[%arg1, %dma_wait3A_396, %dma_wait3A_397] : memref<16x128x128xf32, #tpu.memory_space<vmem_shared>> -> memref<1x128x128xf32, #tpu.memory_space<vmem_shared>>
      %dma_wait3A_399 = tpu.memref_squeeze %dma_wait3A_398 : memref<1x128x128xf32, #tpu.memory_space<vmem_shared>> -> memref<128x128xf32, #tpu.memory_space<vmem_shared>>
      tpu.wait_dma2 semaphore(%run_scoped3A : memref<!tpu.dma_semaphore, #tpu.memory_space<semaphore_mem>>) src(%dma_wait3A_399 : memref<128x128xf32, #tpu.memory_space<vmem_shared>>) dst(%dma_wait3A_395 : memref<128x128xf32, #tpu.memory_space<hbm>>)
      tpu.yield
    }) : () -> ()
    return
  }
}

module attributes {stable_mosaic.version = 14 : i64} {
  func.func @_genre_body(%arg0: i32, %arg1: memref<512x20xi32, #tpu.memory_space<vmem>>, %arg2: memref<1000x128xf32, #tpu.memory_space<vmem>>, %arg3: memref<512x128xf32, #tpu.memory_space<vmem>>) attributes {dimension_semantics = [#tpu.dimension_semantics<arbitrary>], iteration_bounds = array<i64: 8>, scalar_prefetch = 0 : i64, scratch_operands = 0 : i64, tpu.core_type = #tpu.core_type<tc>, window_params = [{transform_indices = @transform_0, window_bounds = array<i64: 512, 20>}, {pipeline_mode = #tpu.pipeline_mode<synchronous>, transform_indices = @transform_1, window_bounds = array<i64: 1000, 128>}, {transform_indices = @transform_2, window_bounds = array<i64: 512, 128>}]} {
    %get3A = arith.constant 0 : index
    %get3A_0 = arith.constant 0 : index
    %get3A_1 = vector.load %arg1[%get3A, %get3A_0] : memref<512x20xi32, #tpu.memory_space<vmem>>, vector<512x20xi32>
    %iota3A = tpu.iota {dimensions = array<i32: 1>} : vector<512x1000xi32>
    %slice3A = vector.extract_strided_slice %get3A_1 {offsets = [0, 0], sizes = [512, 1], strides = [1, 1]} : vector<512x20xi32> to vector<512x1xi32>
    %eq3A = vector.broadcast %slice3A : vector<512x1xi32> to vector<512x1000xi32>
    %eq3A_2 = arith.cmpi eq, %eq3A, %iota3A : vector<512x1000xi32>
    %convert_element_type3A = arith.extui %eq3A_2 : vector<512x1000xi1> to vector<512x1000xi32>
    %convert_element_type3A_3 = arith.sitofp %convert_element_type3A : vector<512x1000xi32> to vector<512x1000xf32>
    %slice3A_4 = vector.extract_strided_slice %get3A_1 {offsets = [0, 1], sizes = [512, 1], strides = [1, 1]} : vector<512x20xi32> to vector<512x1xi32>
    %eq3A_5 = vector.broadcast %slice3A_4 : vector<512x1xi32> to vector<512x1000xi32>
    %eq3A_6 = arith.cmpi eq, %eq3A_5, %iota3A : vector<512x1000xi32>
    %convert_element_type3A_7 = arith.extui %eq3A_6 : vector<512x1000xi1> to vector<512x1000xi32>
    %convert_element_type3A_8 = arith.sitofp %convert_element_type3A_7 : vector<512x1000xi32> to vector<512x1000xf32>
    %add3A = arith.addf %convert_element_type3A_3, %convert_element_type3A_8 : vector<512x1000xf32>
    %slice3A_9 = vector.extract_strided_slice %get3A_1 {offsets = [0, 2], sizes = [512, 1], strides = [1, 1]} : vector<512x20xi32> to vector<512x1xi32>
    %eq3A_10 = vector.broadcast %slice3A_9 : vector<512x1xi32> to vector<512x1000xi32>
    %eq3A_11 = arith.cmpi eq, %eq3A_10, %iota3A : vector<512x1000xi32>
    %convert_element_type3A_12 = arith.extui %eq3A_11 : vector<512x1000xi1> to vector<512x1000xi32>
    %convert_element_type3A_13 = arith.sitofp %convert_element_type3A_12 : vector<512x1000xi32> to vector<512x1000xf32>
    %add3A_14 = arith.addf %add3A, %convert_element_type3A_13 : vector<512x1000xf32>
    %slice3A_15 = vector.extract_strided_slice %get3A_1 {offsets = [0, 3], sizes = [512, 1], strides = [1, 1]} : vector<512x20xi32> to vector<512x1xi32>
    %eq3A_16 = vector.broadcast %slice3A_15 : vector<512x1xi32> to vector<512x1000xi32>
    %eq3A_17 = arith.cmpi eq, %eq3A_16, %iota3A : vector<512x1000xi32>
    %convert_element_type3A_18 = arith.extui %eq3A_17 : vector<512x1000xi1> to vector<512x1000xi32>
    %convert_element_type3A_19 = arith.sitofp %convert_element_type3A_18 : vector<512x1000xi32> to vector<512x1000xf32>
    %add3A_20 = arith.addf %add3A_14, %convert_element_type3A_19 : vector<512x1000xf32>
    %slice3A_21 = vector.extract_strided_slice %get3A_1 {offsets = [0, 4], sizes = [512, 1], strides = [1, 1]} : vector<512x20xi32> to vector<512x1xi32>
    %eq3A_22 = vector.broadcast %slice3A_21 : vector<512x1xi32> to vector<512x1000xi32>
    %eq3A_23 = arith.cmpi eq, %eq3A_22, %iota3A : vector<512x1000xi32>
    %convert_element_type3A_24 = arith.extui %eq3A_23 : vector<512x1000xi1> to vector<512x1000xi32>
    %convert_element_type3A_25 = arith.sitofp %convert_element_type3A_24 : vector<512x1000xi32> to vector<512x1000xf32>
    %add3A_26 = arith.addf %add3A_20, %convert_element_type3A_25 : vector<512x1000xf32>
    %slice3A_27 = vector.extract_strided_slice %get3A_1 {offsets = [0, 5], sizes = [512, 1], strides = [1, 1]} : vector<512x20xi32> to vector<512x1xi32>
    %eq3A_28 = vector.broadcast %slice3A_27 : vector<512x1xi32> to vector<512x1000xi32>
    %eq3A_29 = arith.cmpi eq, %eq3A_28, %iota3A : vector<512x1000xi32>
    %convert_element_type3A_30 = arith.extui %eq3A_29 : vector<512x1000xi1> to vector<512x1000xi32>
    %convert_element_type3A_31 = arith.sitofp %convert_element_type3A_30 : vector<512x1000xi32> to vector<512x1000xf32>
    %add3A_32 = arith.addf %add3A_26, %convert_element_type3A_31 : vector<512x1000xf32>
    %slice3A_33 = vector.extract_strided_slice %get3A_1 {offsets = [0, 6], sizes = [512, 1], strides = [1, 1]} : vector<512x20xi32> to vector<512x1xi32>
    %eq3A_34 = vector.broadcast %slice3A_33 : vector<512x1xi32> to vector<512x1000xi32>
    %eq3A_35 = arith.cmpi eq, %eq3A_34, %iota3A : vector<512x1000xi32>
    %convert_element_type3A_36 = arith.extui %eq3A_35 : vector<512x1000xi1> to vector<512x1000xi32>
    %convert_element_type3A_37 = arith.sitofp %convert_element_type3A_36 : vector<512x1000xi32> to vector<512x1000xf32>
    %add3A_38 = arith.addf %add3A_32, %convert_element_type3A_37 : vector<512x1000xf32>
    %slice3A_39 = vector.extract_strided_slice %get3A_1 {offsets = [0, 7], sizes = [512, 1], strides = [1, 1]} : vector<512x20xi32> to vector<512x1xi32>
    %eq3A_40 = vector.broadcast %slice3A_39 : vector<512x1xi32> to vector<512x1000xi32>
    %eq3A_41 = arith.cmpi eq, %eq3A_40, %iota3A : vector<512x1000xi32>
    %convert_element_type3A_42 = arith.extui %eq3A_41 : vector<512x1000xi1> to vector<512x1000xi32>
    %convert_element_type3A_43 = arith.sitofp %convert_element_type3A_42 : vector<512x1000xi32> to vector<512x1000xf32>
    %add3A_44 = arith.addf %add3A_38, %convert_element_type3A_43 : vector<512x1000xf32>
    %slice3A_45 = vector.extract_strided_slice %get3A_1 {offsets = [0, 8], sizes = [512, 1], strides = [1, 1]} : vector<512x20xi32> to vector<512x1xi32>
    %eq3A_46 = vector.broadcast %slice3A_45 : vector<512x1xi32> to vector<512x1000xi32>
    %eq3A_47 = arith.cmpi eq, %eq3A_46, %iota3A : vector<512x1000xi32>
    %convert_element_type3A_48 = arith.extui %eq3A_47 : vector<512x1000xi1> to vector<512x1000xi32>
    %convert_element_type3A_49 = arith.sitofp %convert_element_type3A_48 : vector<512x1000xi32> to vector<512x1000xf32>
    %add3A_50 = arith.addf %add3A_44, %convert_element_type3A_49 : vector<512x1000xf32>
    %slice3A_51 = vector.extract_strided_slice %get3A_1 {offsets = [0, 9], sizes = [512, 1], strides = [1, 1]} : vector<512x20xi32> to vector<512x1xi32>
    %eq3A_52 = vector.broadcast %slice3A_51 : vector<512x1xi32> to vector<512x1000xi32>
    %eq3A_53 = arith.cmpi eq, %eq3A_52, %iota3A : vector<512x1000xi32>
    %convert_element_type3A_54 = arith.extui %eq3A_53 : vector<512x1000xi1> to vector<512x1000xi32>
    %convert_element_type3A_55 = arith.sitofp %convert_element_type3A_54 : vector<512x1000xi32> to vector<512x1000xf32>
    %add3A_56 = arith.addf %add3A_50, %convert_element_type3A_55 : vector<512x1000xf32>
    %slice3A_57 = vector.extract_strided_slice %get3A_1 {offsets = [0, 10], sizes = [512, 1], strides = [1, 1]} : vector<512x20xi32> to vector<512x1xi32>
    %eq3A_58 = vector.broadcast %slice3A_57 : vector<512x1xi32> to vector<512x1000xi32>
    %eq3A_59 = arith.cmpi eq, %eq3A_58, %iota3A : vector<512x1000xi32>
    %convert_element_type3A_60 = arith.extui %eq3A_59 : vector<512x1000xi1> to vector<512x1000xi32>
    %convert_element_type3A_61 = arith.sitofp %convert_element_type3A_60 : vector<512x1000xi32> to vector<512x1000xf32>
    %add3A_62 = arith.addf %add3A_56, %convert_element_type3A_61 : vector<512x1000xf32>
    %slice3A_63 = vector.extract_strided_slice %get3A_1 {offsets = [0, 11], sizes = [512, 1], strides = [1, 1]} : vector<512x20xi32> to vector<512x1xi32>
    %eq3A_64 = vector.broadcast %slice3A_63 : vector<512x1xi32> to vector<512x1000xi32>
    %eq3A_65 = arith.cmpi eq, %eq3A_64, %iota3A : vector<512x1000xi32>
    %convert_element_type3A_66 = arith.extui %eq3A_65 : vector<512x1000xi1> to vector<512x1000xi32>
    %convert_element_type3A_67 = arith.sitofp %convert_element_type3A_66 : vector<512x1000xi32> to vector<512x1000xf32>
    %add3A_68 = arith.addf %add3A_62, %convert_element_type3A_67 : vector<512x1000xf32>
    %slice3A_69 = vector.extract_strided_slice %get3A_1 {offsets = [0, 12], sizes = [512, 1], strides = [1, 1]} : vector<512x20xi32> to vector<512x1xi32>
    %eq3A_70 = vector.broadcast %slice3A_69 : vector<512x1xi32> to vector<512x1000xi32>
    %eq3A_71 = arith.cmpi eq, %eq3A_70, %iota3A : vector<512x1000xi32>
    %convert_element_type3A_72 = arith.extui %eq3A_71 : vector<512x1000xi1> to vector<512x1000xi32>
    %convert_element_type3A_73 = arith.sitofp %convert_element_type3A_72 : vector<512x1000xi32> to vector<512x1000xf32>
    %add3A_74 = arith.addf %add3A_68, %convert_element_type3A_73 : vector<512x1000xf32>
    %slice3A_75 = vector.extract_strided_slice %get3A_1 {offsets = [0, 13], sizes = [512, 1], strides = [1, 1]} : vector<512x20xi32> to vector<512x1xi32>
    %eq3A_76 = vector.broadcast %slice3A_75 : vector<512x1xi32> to vector<512x1000xi32>
    %eq3A_77 = arith.cmpi eq, %eq3A_76, %iota3A : vector<512x1000xi32>
    %convert_element_type3A_78 = arith.extui %eq3A_77 : vector<512x1000xi1> to vector<512x1000xi32>
    %convert_element_type3A_79 = arith.sitofp %convert_element_type3A_78 : vector<512x1000xi32> to vector<512x1000xf32>
    %add3A_80 = arith.addf %add3A_74, %convert_element_type3A_79 : vector<512x1000xf32>
    %slice3A_81 = vector.extract_strided_slice %get3A_1 {offsets = [0, 14], sizes = [512, 1], strides = [1, 1]} : vector<512x20xi32> to vector<512x1xi32>
    %eq3A_82 = vector.broadcast %slice3A_81 : vector<512x1xi32> to vector<512x1000xi32>
    %eq3A_83 = arith.cmpi eq, %eq3A_82, %iota3A : vector<512x1000xi32>
    %convert_element_type3A_84 = arith.extui %eq3A_83 : vector<512x1000xi1> to vector<512x1000xi32>
    %convert_element_type3A_85 = arith.sitofp %convert_element_type3A_84 : vector<512x1000xi32> to vector<512x1000xf32>
    %add3A_86 = arith.addf %add3A_80, %convert_element_type3A_85 : vector<512x1000xf32>
    %slice3A_87 = vector.extract_strided_slice %get3A_1 {offsets = [0, 15], sizes = [512, 1], strides = [1, 1]} : vector<512x20xi32> to vector<512x1xi32>
    %eq3A_88 = vector.broadcast %slice3A_87 : vector<512x1xi32> to vector<512x1000xi32>
    %eq3A_89 = arith.cmpi eq, %eq3A_88, %iota3A : vector<512x1000xi32>
    %convert_element_type3A_90 = arith.extui %eq3A_89 : vector<512x1000xi1> to vector<512x1000xi32>
    %convert_element_type3A_91 = arith.sitofp %convert_element_type3A_90 : vector<512x1000xi32> to vector<512x1000xf32>
    %add3A_92 = arith.addf %add3A_86, %convert_element_type3A_91 : vector<512x1000xf32>
    %slice3A_93 = vector.extract_strided_slice %get3A_1 {offsets = [0, 16], sizes = [512, 1], strides = [1, 1]} : vector<512x20xi32> to vector<512x1xi32>
    %eq3A_94 = vector.broadcast %slice3A_93 : vector<512x1xi32> to vector<512x1000xi32>
    %eq3A_95 = arith.cmpi eq, %eq3A_94, %iota3A : vector<512x1000xi32>
    %convert_element_type3A_96 = arith.extui %eq3A_95 : vector<512x1000xi1> to vector<512x1000xi32>
    %convert_element_type3A_97 = arith.sitofp %convert_element_type3A_96 : vector<512x1000xi32> to vector<512x1000xf32>
    %add3A_98 = arith.addf %add3A_92, %convert_element_type3A_97 : vector<512x1000xf32>
    %slice3A_99 = vector.extract_strided_slice %get3A_1 {offsets = [0, 17], sizes = [512, 1], strides = [1, 1]} : vector<512x20xi32> to vector<512x1xi32>
    %eq3A_100 = vector.broadcast %slice3A_99 : vector<512x1xi32> to vector<512x1000xi32>
    %eq3A_101 = arith.cmpi eq, %eq3A_100, %iota3A : vector<512x1000xi32>
    %convert_element_type3A_102 = arith.extui %eq3A_101 : vector<512x1000xi1> to vector<512x1000xi32>
    %convert_element_type3A_103 = arith.sitofp %convert_element_type3A_102 : vector<512x1000xi32> to vector<512x1000xf32>
    %add3A_104 = arith.addf %add3A_98, %convert_element_type3A_103 : vector<512x1000xf32>
    %slice3A_105 = vector.extract_strided_slice %get3A_1 {offsets = [0, 18], sizes = [512, 1], strides = [1, 1]} : vector<512x20xi32> to vector<512x1xi32>
    %eq3A_106 = vector.broadcast %slice3A_105 : vector<512x1xi32> to vector<512x1000xi32>
    %eq3A_107 = arith.cmpi eq, %eq3A_106, %iota3A : vector<512x1000xi32>
    %convert_element_type3A_108 = arith.extui %eq3A_107 : vector<512x1000xi1> to vector<512x1000xi32>
    %convert_element_type3A_109 = arith.sitofp %convert_element_type3A_108 : vector<512x1000xi32> to vector<512x1000xf32>
    %add3A_110 = arith.addf %add3A_104, %convert_element_type3A_109 : vector<512x1000xf32>
    %slice3A_111 = vector.extract_strided_slice %get3A_1 {offsets = [0, 19], sizes = [512, 1], strides = [1, 1]} : vector<512x20xi32> to vector<512x1xi32>
    %eq3A_112 = vector.broadcast %slice3A_111 : vector<512x1xi32> to vector<512x1000xi32>
    %eq3A_113 = arith.cmpi eq, %eq3A_112, %iota3A : vector<512x1000xi32>
    %convert_element_type3A_114 = arith.extui %eq3A_113 : vector<512x1000xi1> to vector<512x1000xi32>
    %convert_element_type3A_115 = arith.sitofp %convert_element_type3A_114 : vector<512x1000xi32> to vector<512x1000xf32>
    %add3A_116 = arith.addf %add3A_110, %convert_element_type3A_115 : vector<512x1000xf32>
    %get3A_117 = arith.constant 0 : index
    %get3A_118 = arith.constant 0 : index
    %get3A_119 = vector.load %arg2[%get3A_117, %get3A_118] : memref<1000x128xf32, #tpu.memory_space<vmem>>, vector<1000x128xf32>
    %dot_general3A = arith.constant dense<0.000000e+00> : vector<512x128xf32>
    %dot_general3A_120 = tpu.matmul %add3A_116, %get3A_119, %dot_general3A {dimension_numbers = #tpu.dot_dimension_numbers<[1], [0], [0], [1], [0, 0, 1, 1], [], []>, transpose_lhs_hint = false} : vector<512x1000xf32>, vector<1000x128xf32>, vector<512x128xf32> -> vector<512x128xf32>
    %swap3A = arith.constant 0 : index
    %swap3A_121 = arith.constant 0 : index
    %swap3A_122 = vector.load %arg3[%swap3A, %swap3A_121] : memref<512x128xf32, #tpu.memory_space<vmem>>, vector<512x128xf32>
    tpu.vector_store %arg3[%swap3A, %swap3A_121], %dot_general3A_120 {strides = array<i32>} : memref<512x128xf32, #tpu.memory_space<vmem>>, vector<512x128xf32>,
    return
  }
  func.func @transform_0(%arg0: i32) -> (i32, i32) {
    %c0_i32 = arith.constant 0 : i32
    %c0_i32_0 = arith.constant 0 : i32
    return %arg0, %c0_i32 : i32, i32
  }
  func.func @transform_1(%arg0: i32) -> (i32, i32) {
    %c0_i32 = arith.constant 0 : i32
    %c0_i32_0 = arith.constant 0 : i32
    %c0_i32_1 = arith.constant 0 : i32
    return %c0_i32, %c0_i32_0 : i32, i32
  }
  func.func @transform_2(%arg0: i32) -> (i32, i32) {
    %c0_i32 = arith.constant 0 : i32
    %c0_i32_0 = arith.constant 0 : i32
    return %arg0, %c0_i32 : i32, i32
  }
}

module attributes {stable_mosaic.version = 14 : i64} {
  func.func @_mlp_body(%arg0: i32, %arg1: memref<512x128xf32, #tpu.memory_space<vmem>>, %arg2: memref<512x128xf32, #tpu.memory_space<vmem>>, %arg3: memref<512x128xf32, #tpu.memory_space<vmem>>, %arg4: memref<512x128xf32, #tpu.memory_space<vmem>>, %arg5: memref<512x128xf32, #tpu.memory_space<vmem>>, %arg6: memref<5x128x128xf32, #tpu.memory_space<vmem>>, %arg7: memref<1x128xf32, #tpu.memory_space<vmem>>, %arg8: memref<128x64xf32, #tpu.memory_space<vmem>>, %arg9: memref<1x64xf32, #tpu.memory_space<vmem>>, %arg10: memref<64x1xf32, #tpu.memory_space<vmem>>, %arg11: memref<1x1xf32, #tpu.memory_space<vmem>>, %arg12: memref<512x1xf32, #tpu.memory_space<vmem>>) attributes {dimension_semantics = [#tpu.dimension_semantics<arbitrary>], iteration_bounds = array<i64: 8>, scalar_prefetch = 0 : i64, scratch_operands = 0 : i64, tpu.core_type = #tpu.core_type<tc>, window_params = [{transform_indices = @transform_0, window_bounds = array<i64: 512, 128>}, {transform_indices = @transform_1, window_bounds = array<i64: 512, 128>}, {transform_indices = @transform_2, window_bounds = array<i64: 512, 128>}, {transform_indices = @transform_3, window_bounds = array<i64: 512, 128>}, {transform_indices = @transform_4, window_bounds = array<i64: 512, 128>}, {pipeline_mode = #tpu.pipeline_mode<synchronous>, transform_indices = @transform_5, window_bounds = array<i64: 5, 128, 128>}, {pipeline_mode = #tpu.pipeline_mode<synchronous>, transform_indices = @transform_6, window_bounds = array<i64: 1, 128>}, {pipeline_mode = #tpu.pipeline_mode<synchronous>, transform_indices = @transform_7, window_bounds = array<i64: 128, 64>}, {pipeline_mode = #tpu.pipeline_mode<synchronous>, transform_indices = @transform_8, window_bounds = array<i64: 1, 64>}, {pipeline_mode = #tpu.pipeline_mode<synchronous>, transform_indices = @transform_9, window_bounds = array<i64: 64, 1>}, {pipeline_mode = #tpu.pipeline_mode<synchronous>, transform_indices = @transform_10, window_bounds = array<i64: 1, 1>}, {transform_indices = @transform_11, window_bounds = array<i64: 512, 1>}]} {
    %get3A = arith.constant 0 : index
    %get3A_0 = arith.constant 0 : index
    %get3A_1 = vector.load %arg1[%get3A, %get3A_0] : memref<512x128xf32, #tpu.memory_space<vmem>>, vector<512x128xf32>
    %get3A_2 = arith.constant 0 : index
    %get3A_3 = arith.constant 0 : index
    %get3A_4 = vector.load %arg2[%get3A_2, %get3A_3] : memref<512x128xf32, #tpu.memory_space<vmem>>, vector<512x128xf32>
    %get3A_5 = arith.constant 0 : index
    %get3A_6 = arith.constant 0 : index
    %get3A_7 = vector.load %arg3[%get3A_5, %get3A_6] : memref<512x128xf32, #tpu.memory_space<vmem>>, vector<512x128xf32>
    %get3A_8 = arith.constant 0 : index
    %get3A_9 = arith.constant 0 : index
    %get3A_10 = vector.load %arg4[%get3A_8, %get3A_9] : memref<512x128xf32, #tpu.memory_space<vmem>>, vector<512x128xf32>
    %get3A_11 = arith.constant 0 : index
    %get3A_12 = arith.constant 0 : index
    %get3A_13 = vector.load %arg5[%get3A_11, %get3A_12] : memref<512x128xf32, #tpu.memory_space<vmem>>, vector<512x128xf32>
    %get3A_14 = arith.constant 0 : index
    %get3A_15 = arith.constant 0 : index
    %get3A_16 = vector.load %arg7[%get3A_14, %get3A_15] : memref<1x128xf32, #tpu.memory_space<vmem>>, vector<1x128xf32>
    %get3A_17 = arith.constant 0 : index
    %get3A_18 = arith.constant 0 : index
    %get3A_19 = arith.constant 0 : index
    %get3A_20 = vector.load %arg6[%get3A_17, %get3A_18, %get3A_19] : memref<5x128x128xf32, #tpu.memory_space<vmem>>, vector<1x128x128xf32>
    %get3A_21 = vector.shape_cast %get3A_20 : vector<1x128x128xf32> to vector<128x128xf32>
    %dot_general3A = arith.constant dense<0.000000e+00> : vector<512x128xf32>
    %dot_general3A_22 = tpu.matmul %get3A_1, %get3A_21, %dot_general3A {dimension_numbers = #tpu.dot_dimension_numbers<[1], [0], [0], [1], [0, 0, 1, 1], [], []>, transpose_lhs_hint = false} : vector<512x128xf32>, vector<128x128xf32>, vector<512x128xf32> -> vector<512x128xf32>
    %add3A = vector.broadcast %get3A_16 : vector<1x128xf32> to vector<512x128xf32>
    %add3A_23 = arith.addf %add3A, %dot_general3A_22 : vector<512x128xf32>
    %get3A_24 = arith.constant 1 : index
    %get3A_25 = arith.constant 0 : index
    %get3A_26 = arith.constant 0 : index
    %get3A_27 = vector.load %arg6[%get3A_24, %get3A_25, %get3A_26] : memref<5x128x128xf32, #tpu.memory_space<vmem>>, vector<1x128x128xf32>
    %get3A_28 = vector.shape_cast %get3A_27 : vector<1x128x128xf32> to vector<128x128xf32>
    %dot_general3A_29 = arith.constant dense<0.000000e+00> : vector<512x128xf32>
    %dot_general3A_30 = tpu.matmul %get3A_4, %get3A_28, %dot_general3A_29 {dimension_numbers = #tpu.dot_dimension_numbers<[1], [0], [0], [1], [0, 0, 1, 1], [], []>, transpose_lhs_hint = false} : vector<512x128xf32>, vector<128x128xf32>, vector<512x128xf32> -> vector<512x128xf32>
    %add3A_31 = arith.addf %add3A_23, %dot_general3A_30 : vector<512x128xf32>
    %get3A_32 = arith.constant 2 : index
    %get3A_33 = arith.constant 0 : index
    %get3A_34 = arith.constant 0 : index
    %get3A_35 = vector.load %arg6[%get3A_32, %get3A_33, %get3A_34] : memref<5x128x128xf32, #tpu.memory_space<vmem>>, vector<1x128x128xf32>
    %get3A_36 = vector.shape_cast %get3A_35 : vector<1x128x128xf32> to vector<128x128xf32>
    %dot_general3A_37 = arith.constant dense<0.000000e+00> : vector<512x128xf32>
    %dot_general3A_38 = tpu.matmul %get3A_7, %get3A_36, %dot_general3A_37 {dimension_numbers = #tpu.dot_dimension_numbers<[1], [0], [0], [1], [0, 0, 1, 1], [], []>, transpose_lhs_hint = false} : vector<512x128xf32>, vector<128x128xf32>, vector<512x128xf32> -> vector<512x128xf32>
    %add3A_39 = arith.addf %add3A_31, %dot_general3A_38 : vector<512x128xf32>
    %get3A_40 = arith.constant 3 : index
    %get3A_41 = arith.constant 0 : index
    %get3A_42 = arith.constant 0 : index
    %get3A_43 = vector.load %arg6[%get3A_40, %get3A_41, %get3A_42] : memref<5x128x128xf32, #tpu.memory_space<vmem>>, vector<1x128x128xf32>
    %get3A_44 = vector.shape_cast %get3A_43 : vector<1x128x128xf32> to vector<128x128xf32>
    %dot_general3A_45 = arith.constant dense<0.000000e+00> : vector<512x128xf32>
    %dot_general3A_46 = tpu.matmul %get3A_10, %get3A_44, %dot_general3A_45 {dimension_numbers = #tpu.dot_dimension_numbers<[1], [0], [0], [1], [0, 0, 1, 1], [], []>, transpose_lhs_hint = false} : vector<512x128xf32>, vector<128x128xf32>, vector<512x128xf32> -> vector<512x128xf32>
    %add3A_47 = arith.addf %add3A_39, %dot_general3A_46 : vector<512x128xf32>
    %get3A_48 = arith.constant 4 : index
    %get3A_49 = arith.constant 0 : index
    %get3A_50 = arith.constant 0 : index
    %get3A_51 = vector.load %arg6[%get3A_48, %get3A_49, %get3A_50] : memref<5x128x128xf32, #tpu.memory_space<vmem>>, vector<1x128x128xf32>
    %get3A_52 = vector.shape_cast %get3A_51 : vector<1x128x128xf32> to vector<128x128xf32>
    %dot_general3A_53 = arith.constant dense<0.000000e+00> : vector<512x128xf32>
    %dot_general3A_54 = tpu.matmul %get3A_13, %get3A_52, %dot_general3A_53 {dimension_numbers = #tpu.dot_dimension_numbers<[1], [0], [0], [1], [0, 0, 1, 1], [], []>, transpose_lhs_hint = false} : vector<512x128xf32>, vector<128x128xf32>, vector<512x128xf32> -> vector<512x128xf32>
    %add3A_55 = arith.addf %add3A_47, %dot_general3A_54 : vector<512x128xf32>
    %max3A = arith.constant 0.000000e+00 : f32
    %max3A_56 = vector.broadcast %max3A : f32 to vector<512x128xf32>
    %max3A_57 = arith.maximumf %add3A_55, %max3A_56 : vector<512x128xf32>
    %get3A_58 = arith.constant 0 : index
    %get3A_59 = arith.constant 0 : index
    %get3A_60 = vector.load %arg8[%get3A_58, %get3A_59] : memref<128x64xf32, #tpu.memory_space<vmem>>, vector<128x64xf32>
    %dot_general3A_61 = arith.constant dense<0.000000e+00> : vector<512x64xf32>
    %dot_general3A_62 = tpu.matmul %max3A_57, %get3A_60, %dot_general3A_61 {dimension_numbers = #tpu.dot_dimension_numbers<[1], [0], [0], [1], [0, 0, 1, 1], [], []>, transpose_lhs_hint = false} : vector<512x128xf32>, vector<128x64xf32>, vector<512x64xf32> -> vector<512x64xf32>
    %get3A_63 = arith.constant 0 : index
    %get3A_64 = arith.constant 0 : index
    %get3A_65 = vector.load %arg9[%get3A_63, %get3A_64] : memref<1x64xf32, #tpu.memory_space<vmem>>, vector<1x64xf32>
    %add3A_66 = vector.broadcast %get3A_65 : vector<1x64xf32> to vector<512x64xf32>
    %add3A_67 = arith.addf %dot_general3A_62, %add3A_66 : vector<512x64xf32>
    %max3A_68 = arith.constant 0.000000e+00 : f32
    %max3A_69 = vector.broadcast %max3A_68 : f32 to vector<512x64xf32>
    %max3A_70 = arith.maximumf %add3A_67, %max3A_69 : vector<512x64xf32>
    %get3A_71 = arith.constant 0 : index
    %get3A_72 = arith.constant 0 : index
    %get3A_73 = vector.load %arg10[%get3A_71, %get3A_72] : memref<64x1xf32, #tpu.memory_space<vmem>>, vector<64x1xf32>
    %dot_general3A_74 = arith.constant dense<0.000000e+00> : vector<512x1xf32>
    %dot_general3A_75 = tpu.matmul %max3A_70, %get3A_73, %dot_general3A_74 {dimension_numbers = #tpu.dot_dimension_numbers<[1], [0], [0], [1], [0, 0, 1, 1], [], []>, transpose_lhs_hint = false} : vector<512x64xf32>, vector<64x1xf32>, vector<512x1xf32> -> vector<512x1xf32>
    %get3A_76 = arith.constant 0 : index
    %get3A_77 = arith.constant 0 : index
    %get3A_78 = vector.load %arg11[%get3A_76, %get3A_77] : memref<1x1xf32, #tpu.memory_space<vmem>>, vector<1x1xf32>
    %add3A_79 = vector.broadcast %get3A_78 : vector<1x1xf32> to vector<512x1xf32>
    %add3A_80 = arith.addf %dot_general3A_75, %add3A_79 : vector<512x1xf32>
    %swap3A = arith.constant 0 : index
    %swap3A_81 = arith.constant 0 : index
    %swap3A_82 = vector.load %arg12[%swap3A, %swap3A_81] : memref<512x1xf32, #tpu.memory_space<vmem>>, vector<512x1xf32>
    tpu.vector_store %arg12[%swap3A, %swap3A_81], %add3A_80 {strides = array<i32>} : memref<512x1xf32, #tpu.memory_space<vmem>>, vector<512x1xf32>,
    return
  }
  func.func @transform_0(%arg0: i32) -> (i32, i32) {
    %c0_i32 = arith.constant 0 : i32
    %c0_i32_0 = arith.constant 0 : i32
    return %arg0, %c0_i32 : i32, i32
  }
  func.func @transform_1(%arg0: i32) -> (i32, i32) {
    %c0_i32 = arith.constant 0 : i32
    %c0_i32_0 = arith.constant 0 : i32
    return %arg0, %c0_i32 : i32, i32
  }
  func.func @transform_2(%arg0: i32) -> (i32, i32) {
    %c0_i32 = arith.constant 0 : i32
    %c0_i32_0 = arith.constant 0 : i32
    return %arg0, %c0_i32 : i32, i32
  }
  func.func @transform_3(%arg0: i32) -> (i32, i32) {
    %c0_i32 = arith.constant 0 : i32
    %c0_i32_0 = arith.constant 0 : i32
    return %arg0, %c0_i32 : i32, i32
  }
  func.func @transform_4(%arg0: i32) -> (i32, i32) {
    %c0_i32 = arith.constant 0 : i32
    %c0_i32_0 = arith.constant 0 : i32
    return %arg0, %c0_i32 : i32, i32
  }
  func.func @transform_5(%arg0: i32) -> (i32, i32, i32) {
    %c0_i32 = arith.constant 0 : i32
    %c0_i32_0 = arith.constant 0 : i32
    %c0_i32_1 = arith.constant 0 : i32
    %c0_i32_2 = arith.constant 0 : i32
    return %c0_i32, %c0_i32_0, %c0_i32_1 : i32, i32, i32
  }
  func.func @transform_6(%arg0: i32) -> (i32, i32) {
    %c0_i32 = arith.constant 0 : i32
    %c0_i32_0 = arith.constant 0 : i32
    %c0_i32_1 = arith.constant 0 : i32
    return %c0_i32, %c0_i32_0 : i32, i32
  }
  func.func @transform_7(%arg0: i32) -> (i32, i32) {
    %c0_i32 = arith.constant 0 : i32
    %c0_i32_0 = arith.constant 0 : i32
    %c0_i32_1 = arith.constant 0 : i32
    return %c0_i32, %c0_i32_0 : i32, i32
  }
  func.func @transform_8(%arg0: i32) -> (i32, i32) {
    %c0_i32 = arith.constant 0 : i32
    %c0_i32_0 = arith.constant 0 : i32
    %c0_i32_1 = arith.constant 0 : i32
    return %c0_i32, %c0_i32_0 : i32, i32
  }
  func.func @transform_9(%arg0: i32) -> (i32, i32) {
    %c0_i32 = arith.constant 0 : i32
    %c0_i32_0 = arith.constant 0 : i32
    %c0_i32_1 = arith.constant 0 : i32
    return %c0_i32, %c0_i32_0 : i32, i32
  }
  func.func @transform_10(%arg0: i32) -> (i32, i32) {
    %c0_i32 = arith.constant 0 : i32
    %c0_i32_0 = arith.constant 0 : i32
    %c0_i32_1 = arith.constant 0 : i32
    return %c0_i32, %c0_i32_0 : i32, i32
  }
  func.func @transform_11(%arg0: i32) -> (i32, i32) {
    %c0_i32 = arith.constant 0 : i32
    %c0_i32_0 = arith.constant 0 : i32
    return %arg0, %c0_i32 : i32, i32
  }
}

</mosaic_0001>

<sc_bundles>
// kernel: kernel.5.cloned.1.call-start
scs
__scs_entry_jumppad:
0x0: {  	(pc) =	sbr.rel $0x88, $3  }
0x1: {  	(tag) =	ssettag $0x0;
	lr =	simm.s32 $0x1  }
0x2: {  	[smem:$0x3F91] =	sst lr;
	_ =	strace $0xD0000000  }
0x3: {  	_ = 	snop  }
0x4: {  	_ = 	snop  }
0x5: {  	_ = 	snop  }
0x6: {  	_ = 	snop  }
0x7: {  	_ = 	snop  }
__scs_overlays_trampoline_lowered:
0x8: {  	[smem:$0x3FA0] =	sst s0  }
0x9: {  	[smem:$0x3FA1] =	sst s1  }
0xa: {  	[smem:$0x3FA2] =	sst s2  }
0xb: {  	[smem:$0x3FA3] =	sst s3  }
0xc: {  	[smem:$0x3FA4] =	sst s4  }
0xd: {  	[smem:$0x3FA5] =	sst s5  }
0xe: {  	[smem:$0x3FA6] =	sst s6  }
0xf: {  	[smem:$0x3FA7] =	sst s7  }
0x10: {  	[smem:$0x3FA8] =	sst s8  }
0x11: {  	[smem:$0x3FA9] =	sst s9;
	s0 =	simm.s32 @!p0 $0x0  }
0x12: {  	s1 =	sld [smem:$0x3F8F];
	s0 =	simm.s32 @p0 $0x1  }
0x13: {  	[smem:$0x3FAA] =	sst s0;
	s0 =	simm.s32 @!p1 $0x0  }
0x14: {  	s2 =	sld [smem:$0x3F8E];
	s0 =	simm.s32 @p1 $0x1  }
0x15: {  	[smem:$0x3FAB] =	sst s0;
	s0 =	simm.s32 @!p2 $0x0  }
0x16: {  	s3 =	sld [smem:$0x3FDB];
	s0 =	simm.s32 @p2 $0x1  }
0x17: {  	s4 =	simm.s32 $0x1BF5;
	[smem:$0x3FAD] =	sst s0  }
0x18: {  	s0 =	sld [smem:$0x3F90];
	_ =	swait.ge [sflag:s4], $0x0  }
0x19: {  	s7 =	sld [smem:$0x3F91]  }
0x1a: {  	s8 =	sadd.s32 $0xFFFFE003, lr  }
0x1b: {  	s9 =	sadd.s32 $0xFFFFFEF7, lr;
	s5 =	simm.s32 $0xFFFFFFFF;
	p2 =	slt.u32 s8, $0xFFFFF086  }
0x1c: {  	p1 =	slt.u32 s9, $0xF7A;
	s5 =	simm.s32 @!p2 $0x0  }
0x1d: {  	s5 =	simm.s32 @p1 $0x1;
	p0 =	seq.s32 s7, s2  }
0x1e: {  	s7 =	smul.u32 @!p0 $0xF7A, s2;
	p2 =	seq.s32 @!p0 s5, $0x0  }
0x1f: {  	s9 =	smul.u32 $0xF7A, s1;
	s8 =	simm.s32 @!p0 $0x1BF5;
	p2 =	por !p2, p0  }
0x20: {  	[sflag:s8] =	ssyncset.s32 @!p0 $0xFFFFF086;
	s6 =	sadd.s32 @!p0 s3, s7;
	s7 =	simm.s32 @!p0 $0x108  }
0x21: {  	s3 =	sadd.s32 s3, s9;
	s6 =	sadd.s32 @!p0 $0x88, s6;
	s7 =	simm.s32 @p2 $0x1082  }
0x22: {  	[simem:s7], [sflag:s8] =	dma.local @!p0 [hbm:s6], $0xF7A  }
0x23: {  	s9 =	sor.u32 $0xD0000000, s2;
	s6 =	simm.s32 $0x108;
	_ =	swait.ge @!p0 [sflag:s8], $0x0  }
0x24: {  	s3 =	sadd.s32 $0x88, s3;
	s6 =	simm.s32 @!p1 $0x1082;
	[sflag:s4] =	ssyncset.s32 $0xFFFFF086  }
0x25: {  	[simem:s6], [sflag:s4] =	dma.local [hbm:s3], $0xF7A  }
0x26: {  	[smem:$0x3F91] =	sst s1;
	(tag) =	ssettag s2;
	_ =	strace s9  }
0x27: {  	s1 =	sld [smem:$0x3FA1]  }
0x28: {  	s2 =	sld [smem:$0x3FA2]  }
0x29: {  	s4 =	sld [smem:$0x3FA4]  }
0x2a: {  	p0 =	seq.s32 s5, $0x0;
	s5 =	sld [smem:$0x3FA5]  }
0x2b: {  	s6 =	sld [smem:$0x3FA6]  }
0x2c: {  	s7 =	sld [smem:$0x3FA7]  }
0x2d: {  	s3 =	simm.s32 $0x108;
	s8 =	sld [smem:$0x3FA8]  }
0x2e: {  	s3 =	simm.s32 @!p0 $0x1082;
	s9 =	sld [smem:$0x3FA9]  }
0x2f: {  	lr =	sadd.s32 s0, s3;
	s0 =	sld [smem:$0x3FA0]  }
0x30: {  	s3 =	sld [smem:$0x3FA3]  }
0x31: {  	[smem:$0x3FAC] =	sst s10  }
0x32: {  	s10 =	sld [smem:$0x3FAA];
	_ =	sdelay $0x3  }
0x33: {  	p0 =	seq.s32 s10, $0x1;
	s10 =	sld [smem:$0x3FAC];
	_ =	sdelay $0x3  }
0x34: {  	[smem:$0x3FAC] =	sst s10  }
0x35: {  	s10 =	sld [smem:$0x3FAB];
	_ =	sdelay $0x3  }
0x36: {  	p1 =	seq.s32 s10, $0x1;
	s10 =	sld [smem:$0x3FAC];
	_ =	sdelay $0x3  }
0x37: {  	[smem:$0x3FAC] =	sst s10  }
0x38: {  	s10 =	sld [smem:$0x3FAD]  }
0x39: {  	_ = 	snop;
	(pc) =	sbr.ind lr, $3  }
0x3a: {  	_ = 	snop  }
0x3b: {  	_ = 	snop  }
0x3c: {  	p2 =	seq.s32 s10, $0x1;
	s10 =	sld [smem:$0x3FAC]  }
0x3d: {  	_ =	shalt  }
0x3e: {  	_ =	shalt  }
0x3f: {  	_ =	shalt  }
0x40: {  	_ =	shalt  }
0x41: {  	_ =	shalt  }
0x42: {  	_ =	shalt  }
0x43: {  	_ =	shalt  }
0x44: {  	_ =	shalt  }
0x45: {  	_ =	shalt  }
0x46: {  	_ =	shalt  }
0x47: {  	_ =	shalt  }
0x48: {  	_ =	shalt  }
0x49: {  	_ =	shalt  }
0x4a: {  	_ =	shalt  }
0x4b: {  	_ =	shalt  }
0x4c: {  	_ =	shalt  }
0x4d: {  	_ =	shalt  }
0x4e: {  	_ =	shalt  }
0x4f: {  	_ =	shalt  }
0x50: {  	_ =	shalt  }
0x51: {  	_ =	shalt  }
0x52: {  	_ =	shalt  }
0x53: {  	_ =	shalt  }
0x54: {  	_ =	shalt  }
0x55: {  	_ =	shalt  }
0x56: {  	_ =	shalt  }
0x57: {  	_ =	shalt  }
0x58: {  	_ =	shalt  }
0x59: {  	_ =	shalt  }
0x5a: {  	_ =	shalt  }
0x5b: {  	_ =	shalt  }
0x5c: {  	_ =	shalt  }
0x5d: {  	_ =	shalt  }
0x5e: {  	_ =	shalt  }
0x5f: {  	_ =	shalt  }
0x60: {  	_ =	shalt  }
0x61: {  	_ =	shalt  }
0x62: {  	_ =	shalt  }
0x63: {  	_ =	shalt  }
0x64: {  	_ =	shalt  }
0x65: {  	_ =	shalt  }
0x66: {  	_ =	shalt  }
0x67: {  	_ =	shalt  }
0x68: {  	_ =	shalt  }
0x69: {  	_ =	shalt  }
0x6a: {  	_ =	shalt  }
0x6b: {  	_ =	shalt  }
0x6c: {  	_ =	shalt  }
0x6d: {  	_ =	shalt  }
0x6e: {  	_ =	shalt  }
0x6f: {  	_ =	shalt  }
0x70: {  	_ =	shalt  }
0x71: {  	_ =	shalt  }
0x72: {  	_ =	shalt  }
0x73: {  	_ =	shalt  }
0x74: {  	_ =	shalt  }
0x75: {  	_ =	shalt  }
0x76: {  	_ =	shalt  }
0x77: {  	_ =	shalt  }
0x78: {  	_ =	shalt  }
0x79: {  	_ =	shalt  }
0x7a: {  	_ =	shalt  }
0x7b: {  	_ =	shalt  }
0x7c: {  	_ =	shalt  }
0x7d: {  	_ =	shalt  }
0x7e: {  	_ =	shalt  }
0x7f: {  	_ =	shalt  }
0x80: {  	_ =	shalt  }
0x81: {  	_ =	shalt  }
0x82: {  	_ =	shalt  }
0x83: {  	_ =	shalt  }
0x84: {  	_ =	shalt  }
0x85: {  	_ =	shalt  }
0x86: {  	_ =	shalt  }
0x87: {  	_ =	shalt  }
.Lfunc_end0:
.L_simem_size_0:
called_computation_lowered:
.L_overlay_start_0:
0x88: {  	s2 =	sld [smem:$0x3FD9]  }
0x89: {  	s3 =	sld [smem:$0x3FFE];
	_ =	sdelay $0x1  }
0x8a: {  	s1 =	srdreg.scid  }
0x8b: {  	s0 =	sand.u32 $0x1, s1  }
0x8c: {  	s17 =	sshll.u32 s0, $0xA;
	s2 =	sadd.s32 s3, s2  }
0x8d: {  	s2 =	sadd.s32 s2, s17  }
0x8e: {  	[smem:$0x3FB8] =	sst s2  }
0x8f: {  	_ = 	snop  }
0x90: {  	s2 =	sld [smem:$0x3FC9]  }
0x91: {  	s18 =	sld [smem:$0x3FC8]  }
0x92: {  	s4 =	sld [smem:$0x3FC6]  }
0x93: {  	s5 =	sld [smem:$0x3FC4]  }
0x94: {  	s6 =	sld [smem:$0x3FC3]  }
0x95: {  	s7 =	sld [smem:$0x3FC1]  }
0x96: {  	s8 =	sld [smem:$0x3FC0]  }
0x97: {  	s9 =	sld [smem:$0x3FD0];
	(tm) =	ssettm $0x1  }
0x98: {  	s10 =	sld [smem:$0x3FFB];
	_ =	sdelay $0x3  }
0x99: {  	_ =	strace s10  }
0x9a: {  	s10 =	sld [smem:$0x3FFC];
	_ =	sdelay $0x3  }
0x9b: {  	_ =	strace s10  }
0x9c: {  	s10 =	sld [smem:$0x3FFD];
	_ =	sdelay $0x3  }
0x9d: {  	_ =	strace s10  }
0x9e: {  	_ =	strace $0x8FFFFFFF  }
0x9f: {  	s19 =	sld [smem:$0x3FDB];
	_ =	sdelay $0x1  }
0xa0: {  	s11 =	simm.s32 $_scs_section_size  }
0xa1: {  	s12 =	simm.s32 $_size__tile_overlayer_lowered;
	s13 =	simm.s32 $_tile_overlayer_lowered  }
0xa2: {  	s22 =	simm.s32 $0x1BFF;
	s21 =	sshll.u32 s13, $0x1;
	s10 =	sadd.s32 s11, s19  }
0xa3: {  	s14 =	simm.s32 $0x0;
	s20 =	sshll.u32 s12, $0x1;
	s12 =	sadd.s32 s21, s10  }
0xa4: {  	[timem:s14], [sflag:s22] =	dma.local [hbm:s12], s20  }
0xa5: {  	_ =	swait.ge [sflag:s22], s20  }
0xa6: {  	s11 =	ssub.s32 $0x0, s20;
	[sflag:s22] =	ssyncset.done $0x0  }
0xa7: {  	[sflag:s22] =	ssyncadd.s32 s11;
	_ =	sdelay $0x1  }
0xa8: {  	s23 =	simm.s32 $0x1B8B  }
0xa9: {  	_ =	swait.ge [sflag:s23], $0x1  }
0xaa: {  	[sflag:s23] =	ssyncset.done $0x0  }
0xab: {  	s25 =	simm.s32 $0x1B8E;
	s24 =	sld [smem:$0x3FFE];
	[sflag:s23] =	ssyncadd.s32 $0xFFFFFFFF  }
0xac: {  	s26 =	simm.s32 $execute0_lowered;
	[smem:$0x3FD2] =	sst s25  }
0xad: {  	s12 =	sshll.u32 s26, $0x1;
	_ =	strace $0x80000046;
	[dreg:$0x1] =	wrdreg $0xFFFFFFFF  }
0xae: {  	s28 =	simm.s32 $_size_execute0_lowered;
	s10 =	sadd.s32 s10, s12;
	[dreg:$0x0] =	wrdreg $0x0  }
0xaf: {  	s12 =	sshll.u32 s28, $0x1;
	[dreg:$0x2] =	wrdreg s10  }
0xb0: {  	[dreg:$0x3] =	wrdreg s12  }
0xb1: {  	[dreg:$0x4] =	wrdreg $0xC0  }
0xb2: {  	_ =	task [dreg:s14], $0x5FFFF  }
0xb3: {  	[dreg:$0x1] =	wrdreg $0xFFFFFFFF  }
0xb4: {  	[dreg:$0x0] =	wrdreg $0x60  }
0xb5: {  	[dreg:$0x2] =	wrdreg s2  }
0xb6: {  	[dreg:$0x3] =	wrdreg s18  }
0xb7: {  	[dreg:$0x4] =	wrdreg s4  }
0xb8: {  	[dreg:$0x5] =	wrdreg s24  }
0xb9: {  	[dreg:$0x6] =	wrdreg s9  }
0xba: {  	[dreg:$0x7] =	wrdreg s5  }
0xbb: {  	[dreg:$0x8] =	wrdreg s6  }
0xbc: {  	[dreg:$0x9] =	wrdreg s7  }
0xbd: {  	[dreg:$0xa] =	wrdreg s8  }
0xbe: {  	[dreg:$0xb] =	wrdreg $0x110000  }
0xbf: {  	[dreg:$0xc] =	wrdreg $0x9  }
0xc0: {  	_ =	task.clear_ibuf [dreg:s14], $0xDFFFF;
	_ =	strace $0x90000046  }
0xc1: {  	s29 =	simm.s32 $0x9;
	_ =	strace $0x80000048  }
0xc2: {  	_ =	swait.ge [sflag:s29], $0x1  }
0xc3: {  	[sflag:s29] =	ssyncadd.s32 $0xFFFFFFFF  }
0xc4: {  	_ =	strace $0x90000048  }
0xc5: {  	_ =	sfence  }
0xc6: {  	s30 =	sld [smem:$0x0];
	_ =	sdelay $0x2  }
0xc7: {  	s31 =	sshll.u32 s1, $0xD;
	s1 =	sshrl.u32 s1, $0x2  }
0xc8: {  	s3 =	sand.u32 $0x4000, s31;
	s1 =	sadd.s32 s1, s30  }
0xc9: {  	s0 =	sor.u32 s3, s0;
	s1 =	sshll.u32 s1, $0x11  }
0xca: {  	s0 =	sor.u32 s1, s0  }
0xcb: {  	s0 =	sadd.s32 $0x8F2B, s0  }
0xcc: {  	[sflag:s0] =	ssyncadd.remote.s32 $0x1  }
0xcd: {  	_ =	sfence.sel $0xFFFF  }
0xce: {  	[dreg:$0x0] =	wrdreg $0xFFFFFFFF;
	(pc) =	sbr.abs _section_cstart, $3  }
0xcf: {  	[dreg:$0x1] =	wrdreg $0xFFFFFFFF  }
0xd0: {  	_ =	task.clear_ibuf [dreg:s14], $0x2FFFF;
	_ =	strace $0x9FFFFFFF  }
0xd1: {  	(tm) =	ssettm $0x7FFFFFFF  }
tec
execute0_lowered:
.L_overlay_start_1:
0x0: {  	(tag) =	ssettag $0x1  }
0x1: {  	s0 =	rddreg [dreg:$0x0]  }
0x2: {  	s1 =	rddreg [dreg:$0x1]  }
0x3: {  	s2 =	rddreg [dreg:$0x2]  }
0x4: {  	s3 =	rddreg [dreg:$0x3]  }
0x5: {  	s4 =	srdreg.scid;
	s6 =	rddreg [dreg:$0x8]  }
0x6: {  	s5 =	rddreg [dreg:$0x9];
	s12 =	stileid.u32  }
0x7: {  	s7 =	simm.s32 $0x0;
	s28 =	simm.s32 $0x5000;
	s29 =	simm.s32 $0xC  }
0x8: {  	s30 =	simm.s32 $0x9000;
	s31 =	simm.s32 $0x1;
	s14 =	simm.s32 $0x6  }
0x9: {  	s15 =	simm.s32 $0x8;
	s4 =	sand.u32 $0x1, s4;
	[smem:$0x7FF] =	sst s7  }
0xa: {  	s13 =	sadd.s32 $0x4400, s3;
	s16 =	sshll.u32 s12, $0xE;
	s17 =	sshll.u32 s12, $0x6  }
0xb: {  	s8 =	sshll.u32 s4, $0x4;
	_ =	strace $0x80000047;
	[dreg:$0xb] =	wrdreg s13  }
0xc: {  	s4 =	ssub.s32 $0x2, s4;
	[dreg:$0xc] =	wrdreg s17;
	s18 =	sor.u32 $0x1C09, s17  }
0xd: {  	s13 =	simm.s32 $0x5;
	s8 =	sor.u32 s12, s8;
	s11 =	sshrl.u32 s4, $0x1  }
0xe: {  	[dreg:$0xd] =	wrdreg s18;
	s12 =	simm.s32 $0xF;
	s9 =	smul.u32 $0x140, s8  }
0xf: {  	s10 =	sshll.u32 s8, $0xB;
	s4 =	ssub.s32 s4, s11;
	s8 =	sshll.u32 s8, $0x4  }
0x10: {  	s11 =	simm.s32 $0xE;
	s0 =	sadd.s32 s0, s8;
	s19 =	sadd.s32 s1, s8  }
0x11: {  	s20 =	sadd.s32 s2, s8;
	s26 =	smax.u32 s4, $0x1;
	[dreg:$0xe] =	wrdreg s0  }
0x12: {  	s4 =	simm.s32 $0x2;
	s1 =	simm.s32 $0x10;
	[dreg:$0xf] =	wrdreg s19  }
0x13: {  	s9 =	sadd.s32 s9, s3;
	s3 =	sadd.s32 s10, s3;
	[dreg:$0x10] =	wrdreg s20  }
0x14: {  	s8 =	simm.s32 $0xD;
	[dreg:$0x16] =	wrdreg s26;
	s21 =	sadd.s32 $0x4C00, s3  }
0x15: {  	s10 =	sadd.s32 s16, s5;
	s22 =	sadd.s32 $0x14C00, s3;
	[dreg:$0x11] =	wrdreg s21  }
0x16: {  	s5 =	simm.s32 $0x3;
	s23 =	sadd.s32 $0x24C00, s3;
	[dreg:$0x12] =	wrdreg s22  }
0x17: {  	s0 =	simm.s32 $0xC00;
	s24 =	sadd.s32 $0x1C00, s9;
	[dreg:$0x13] =	wrdreg s23  }
0x18: {  	s16 =	simm.s32 $0x0;
	s25 =	sadd.s32 $0x34C00, s3;
	[dreg:$0x14] =	wrdreg s24  }
0x19: {  	s3 =	simm.s32 $0x9;
	s9 =	simm.s32 $0x7;
	[dreg:$0x15] =	wrdreg s25  }
0x1a: {  	s21 =	sshrl.u32 s10, $0x3;
	s22 =	simm.s32 $0x80;
	s25 =	simm.s32 $0x1000  }
.LBB2_1:
0x1b: {  	s2 =	rddreg [dreg:$0xb]  }
0x1c: {  	s17 =	rddreg [dreg:$0xd]  }
0x1d: {  	[spmem:s21], [sflag:s17] =	dma.local [hbm:s2], $0x800  }
0x1e: {  	s2 =	rddreg [dreg:$0xe]  }
0x1f: {  	[tilespmem:s7], [sflag:$0xA] =	stream.linear.gather [hbm4b:s2+s7], $0x80, $0x38;
	[tilespmem:$0x15000] =	vst v63  }
0x20: {  	s20 =	rddreg [dreg:$0xf]  }
0x21: {  	[tilespmem:s22], [sflag:$0xB] =	stream.linear.gather [hbm4b:s20+s7], $0x80, $0x38;
	[tilespmem:$0x15000] =	vst v63  }
0x22: {  	s24 =	simm.s32 $0x100;
	s26 =	simm.s32 $0xA;
	s23 =	rddreg [dreg:$0x10]  }
0x23: {  	[tilespmem:s24], [sflag:$0xC] =	stream.linear.gather [hbm4b:s23+s7], $0x80, $0x38;
	[tilespmem:$0x15000] =	vst v63  }
0x24: {  	_ =	swait.ge [sflag:s26], $0x80  }
0x25: {  	[sflag:s26] =	ssyncset.done $0x0  }
0x26: {  	[sflag:s26] =	ssyncadd.s32 $0xFFFFFF80  }
0x27: {  	s18 =	simm.s32 $0xB;
	s2 =	rddreg [dreg:$0x5]  }
0x28: {  	[tilespmem:s25], [sflag:$0x1] =	stream.indirect.gather [hbm4b:s2+s22], $0x80, s7, s22, $0xb8;
	[tilespmem:$0x15000] =	vst v63  }
0x29: {  	_ =	swait.ge [sflag:s18], $0x80  }
0x2a: {  	[sflag:s18] =	ssyncset.done $0x0  }
0x2b: {  	[sflag:s18] =	ssyncadd.s32 $0xFFFFFF80  }
0x2c: {  	s2 =	rddreg [dreg:$0x6]  }
0x2d: {  	[tilespmem:s28], [sflag:$0x2] =	stream.indirect.gather [hbm4b:s2+s22], $0x80, s22, s22, $0xb8;
	[tilespmem:$0x15000] =	vst v63  }
0x2e: {  	_ =	swait.ge [sflag:s29], $0x80  }
0x2f: {  	[sflag:s29] =	ssyncset.done $0x0  }
0x30: {  	[sflag:s29] =	ssyncadd.s32 $0xFFFFFF80  }
0x31: {  	s19 =	rddreg [dreg:$0x7]  }
0x32: {  	[tilespmem:s30], [sflag:$0x3] =	stream.indirect.gather [hbm4b:s19+s22], $0x80, s24, s22, $0xb8;
	[tilespmem:$0x15000] =	vst v63  }
0x33: {  	_ =	swait.ge [sflag:s31], $0x4000  }
0x34: {  	[sflag:s31] =	ssyncset.done $0x0  }
0x35: {  	s20 =	rddreg [dreg:$0x11];
	[sflag:s31] =	ssyncadd.s32 $0xFFFFC000  }
0x36: {  	[hbm4b:s20+s7] =	stream.linear.scatter [tilespmem:s25], [sflag:$0xD], $0x4000, $0x38;
	[tilespmem:$0x15000] =	vst v63  }
0x37: {  	_ =	swait.ge [sflag:s4], $0x4000  }
0x38: {  	[sflag:s4] =	ssyncset.done $0x0  }
0x39: {  	s23 =	rddreg [dreg:$0x12];
	[sflag:s4] =	ssyncadd.s32 $0xFFFFC000  }
0x3a: {  	[hbm4b:s23+s7] =	stream.linear.scatter [tilespmem:s28], [sflag:$0xE], $0x4000, $0x38;
	[tilespmem:$0x15000] =	vst v63  }
0x3b: {  	_ =	swait.ge [sflag:s5], $0x4000  }
0x3c: {  	[sflag:s5] =	ssyncset.done $0x0  }
0x3d: {  	s24 =	rddreg [dreg:$0x13];
	[sflag:s5] =	ssyncadd.s32 $0xFFFFC000  }
0x3e: {  	[hbm4b:s24+s7] =	stream.linear.scatter [tilespmem:s30], [sflag:$0xF], $0x4000, $0x38;
	[tilespmem:$0x15000] =	vst v63  }
0x3f: {  	s26 =	rddreg [dreg:$0x4]  }
0x40: {  	[tilespmem:s0], [sflag:$0x10] =	stream.linear.gather [hbm4b:s26+s7], $0x400, $0x38;
	[tilespmem:$0x15000] =	vst v63  }
0x41: {  	_ =	swait.ge [sflag:s1], $0x400  }
0x42: {  	[sflag:s1] =	ssyncset.done $0x0  }
0x43: {  	s18 =	simm.s32 $0x200;
	s17 =	rddreg [dreg:$0x14];
	[sflag:s1] =	ssyncadd.s32 $0xFFFFFC00  }
0x44: {  	[tilespmem:s18], [sflag:$0x10] =	stream.linear.gather [hbm4b:s17+s7], $0xA00, $0x38;
	[tilespmem:$0x15000] =	vst v63  }
0x45: {  	_ =	swait.ge [sflag:s1], $0xA00  }
0x46: {  	[sflag:s1] =	ssyncset.done $0x0  }
0x47: {  	[sflag:s1] =	ssyncadd.s32 $0xFFFFF600  }
0x48: {  	_ =	swait.ge [sflag:s3], $0x800  }
0x49: {  	[sflag:s3] =	ssyncset.done $0x0  }
0x4a: {  	[sflag:s3] =	ssyncadd.s32 $0xFFFFF800  }
0x4b: {  	_ =	swait.ge [sflag:s8], $0x4000  }
0x4c: {  	[sflag:s8] =	ssyncset.done $0x0  }
0x4d: {  	[sflag:s8] =	ssyncadd.s32 $0xFFFFC000  }
0x4e: {  	_ =	swait.ge [sflag:s11], $0x4000  }
0x4f: {  	[sflag:s11] =	ssyncset.done $0x0  }
0x50: {  	[sflag:s11] =	ssyncadd.s32 $0xFFFFC000  }
0x51: {  	_ =	swait.ge [sflag:s12], $0x4000  }
0x52: {  	[sflag:s12] =	ssyncset.done $0x0  }
0x53: {  	[sflag:s12] =	ssyncadd.s32 $0xFFFFC000  }
0x54: {  	[tilespmem:s25], [sflag:$0x1] =	stream.indirect.gather [hbm4b:s6+s22], $0x80, s18, s22, $0xb8;
	[tilespmem:$0x15000] =	vst v63  }
0x55: {  	s19 =	simm.s32 $0x280  }
0x56: {  	[tilespmem:s28], [sflag:$0x2] =	stream.indirect.gather [hbm4b:s6+s22], $0x80, s19, s22, $0xb8;
	[tilespmem:$0x15000] =	vst v63  }
0x57: {  	s20 =	simm.s32 $0x300  }
0x58: {  	[tilespmem:s30], [sflag:$0x3] =	stream.indirect.gather [hbm4b:s6+s22], $0x80, s20, s22, $0xb8;
	[tilespmem:$0x15000] =	vst v63  }
0x59: {  	_ =	swait.ge [sflag:s31], $0x4000  }
0x5a: {  	s26 =	simm.s32 $0x1;
	[sflag:s31] =	ssyncset.done $0x0  }
0x5b: {  	p0 =	por $0x0, $0x0;
	s2 =	sand.u32 $0x3, s26;
	[sflag:s31] =	ssyncadd.s32 $0xFFFFC000  }
0x5c: {  	[spmem:s10] =	stream.indirect.scatter.add.f32 [tilespmem:s25], [sflag:$0x5], $0x80, s0, s22, $0xb8;
	[tilespmem:$0x15000] =	vst v63  }
0x5d: {  	s23 =	simm.s32 $0x380;
	s24 =	simm.s32 $0xD000;
	s19 =	sadd.s32 $0x1, s2  }
0x5e: {  	[tilespmem:s24], [sflag:$0x4] =	stream.indirect.gather [hbm4b:s6+s22], $0x80, s23, s22, $0xb8;
	[tilespmem:$0x15000] =	vst v63  }
0x5f: {  	s17 =	simm.s32 $0x400;
	s18 =	simm.s32 $0x4;
	_ =	swait.ge [sflag:s19], $0x4000  }
0x60: {  	s20 =	sshll.u32 s2, $0xE;
	s2 =	sadd.s32 $0x5, s2;
	[sflag:s19] =	ssyncset.done $0x0  }
0x61: {  	s20 =	sor.u32 $0x1000, s20;
	[sflag:s19] =	ssyncadd.s32 $0xFFFFC000;
	s19 =	sand.u32 @!p0 $0x3, s18  }
0x62: {  	[spmem:s10] =	stream.indirect.scatter.add.f32 [tilespmem:s20], [sflag:s2], $0x80, s0, s22, $0xb8;
	[tilespmem:$0x15000] =	vst v63  }
0x63: {  	s24 =	simm.s32 @!p0 $0x80;
	s18 =	simm.s32 $0x5;
	s23 =	sadd.s32 @!p0 $0x5, s19  }
0x64: {  	s2 =	sshll.u32 @!p0 s19, $0xE;
	s20 =	sadd.s32 @!p0 $0x1, s19;
	_ =	swait.ge @!p0 [sflag:s23], $0x4000  }
0x65: {  	s19 =	simm.s32 $0x480;
	s2 =	sor.u32 @!p0 $0x1000, s2;
	[sflag:s23] =	ssyncset.done @!p0 $0x0  }
.LBB2_2:
0x66: {  	s26 =	sadd.s32 $0xFFFFFFFD, s18  }
0x67: {  	[sflag:s23] =	ssyncadd.s32 @!p0 $0xFFFFC000;
	s23 =	smov.u32 s18;
	s18 =	sadd.s32 $0x1, s18  }
0x68: {  	[tilespmem:s2], [sflag:s20] =	stream.indirect.gather @!p0 [hbm4b:s6+s24], $0x80, s17, s24, $0xb8;
	[tilespmem:$0x15000] =	vst v63  }
0x69: {  	s2 =	sand.u32 $0x3, s26;
	p1 =	sne.s32 s18, $0x17;
	s17 =	smov.u32 s19  }
0x6a: {  	s20 =	sshll.u32 s2, $0xE;
	s24 =	sadd.s32 $0x1, s2  }
0x6b: {  	p0 =	sgt.u32 s26, $0x10;
	_ =	swait.ge [sflag:s24], $0x4000  }
0x6c: {  	s2 =	sadd.s32 $0x5, s2;
	s20 =	sor.u32 $0x1000, s20;
	[sflag:s24] =	ssyncset.done $0x0  }
.Ltmp0:
0x6d: {  	[sflag:s24] =	ssyncadd.s32 $0xFFFFC000;
	s24 =	sand.u32 @!p0 $0x3, s23;
	(pc) =	sbr.rel @p1 .LBB2_2-.Ltmp0, $4  }
0x6e: {  	[spmem:s10] =	stream.indirect.scatter.add.f32 [tilespmem:s20], [sflag:s2], $0x80, s0, s22, $0xb8;
	[tilespmem:$0x15000] =	vst v63  }
0x6f: {  	s23 =	sadd.s32 @!p0 $0x5, s24;
	s2 =	sshll.u32 @!p0 s24, $0xE;
	s20 =	sadd.s32 @!p0 $0x1, s24  }
0x70: {  	s2 =	sor.u32 @!p0 $0x1000, s2;
	_ =	swait.ge @!p0 [sflag:s23], $0x4000  }
0x71: {  	s19 =	sadd.s32 $0x80, s19;
	s24 =	simm.s32 @!p0 $0x80;
	[sflag:s23] =	ssyncset.done @!p0 $0x0  }
0x72: {  	[sflag:s23] =	ssyncadd.s32 @!p0 $0xFFFFC000  }
0x73: {  	[tilespmem:s2], [sflag:s20] =	stream.indirect.gather @!p0 [hbm4b:s6+s24], $0x80, s17, s24, $0xb8;
	[tilespmem:$0x15000] =	vst v63  }
0x74: {  	_ =	swait.ge [sflag:s13], $0x4000  }
0x75: {  	[sflag:s13] =	ssyncset.done $0x0  }
0x76: {  	[sflag:s13] =	ssyncadd.s32 $0xFFFFC000  }
0x77: {  	_ =	swait.ge [sflag:s14], $0x4000  }
0x78: {  	[sflag:s14] =	ssyncset.done $0x0  }
0x79: {  	[sflag:s14] =	ssyncadd.s32 $0xFFFFC000  }
0x7a: {  	_ =	swait.ge [sflag:s9], $0x4000  }
0x7b: {  	[sflag:s9] =	ssyncset.done $0x0  }
0x7c: {  	[sflag:s9] =	ssyncadd.s32 $0xFFFFC000  }
0x7d: {  	_ =	swait.ge [sflag:s15], $0x4000  }
0x7e: {  	[sflag:s15] =	ssyncset.done $0x0;
	s23 =	rddreg [dreg:$0xc]  }
0x7f: {  	s24 =	rddreg [dreg:$0x15];
	[sflag:s15] =	ssyncadd.s32 $0xFFFFC000;
	s2 =	sor.u32 $0x1C10, s23  }
0x80: {  	[hbm:s24], [sflag:s2] =	dma.local [spmem:s21], $0x800  }
0x81: {  	_ =	swait.ge [sflag:s1], $0x800  }
0x82: {  	s16 =	sadd.s32 $0x1, s16;
	s26 =	rddreg [dreg:$0x16]  }
0x83: {  	p0 =	sne.s32 s16, s26  }
.Ltmp1:
0x84: {  	_ = 	snop;
	(pc) =	sbr.rel @p0 .LBB2_1-.Ltmp1, $3  }
0x85: {  	_ =	sdelay $0x1  }
0x86: {  	[sflag:s1] =	ssyncset.done $0x0  }
0x87: {  	[sflag:s1] =	ssyncadd.s32 $0xFFFFF800  }
0x88: {  	_ =	sfence.sel $0x180000  }
0x89: {  	[bflag:$0x0] =	sbarrier.arrive $0xFFFF  }
0x8a: {  	_ =	strace $0x90000047  }
0x8b: {  	s0 =	stileid.u32;
	[bflag:$0x2] =	sbarrier.arrive $0xFFFF  }
0x8c: {  	p0 =	sne.s32 s0, $0x0;
	s0 =	rddreg [dreg:$0xa]  }
0x8d: {  	s0 =	sadd.s32 @!p0 $0x100000, s0  }
0x8e: {  	[sflag:s0] =	ssyncadd.tile.s32 @!p0 $0x1;
	_ =	shalt  }
.Lfunc_end2:
_tile_overlayer_lowered:
.L_overlay_start_2:
0x8f: {  	(tag) =	ssettag $0x2  }
0x90: {  	s0 =	rddreg [dreg:$0x0];
	s2 =	stileid.u32  }
0x91: {  	s1 =	rddreg [dreg:$0x1];
	p0 =	sne.s32 s2, $0x0  }
0x92: {  	s3 =	rddreg [dreg:$0x2];
	[bflag:$0x3] =	sbarrier.arrive $0xFFFF;
	s2 =	simm.s32 @!p0 $0x1C10  }
0x93: {  	[timem:s3], [sflag:s2] =	dma.local @!p0 [hbm:s0], s1  }
0x94: {  	s0 =	simm.s32 @!p0 $0x10  }
0x95: {  	_ =	swait.ge @!p0 [sflag:s0], s1  }
0x96: {  	s1 =	ssub.s32 @!p0 $0x0, s1;
	[sflag:s0] =	ssyncset.done @!p0 $0x0  }
0x97: {  	[sflag:s0] =	ssyncadd.s32 @!p0 s1  }
0x98: {  	[bflag:$0x3] =	sbarrier.arrive $0xFFFF  }
0x99: {  	_ =	shalt  }

</sc_bundles>
